<compile_context>
chip_gen: v7x
topology: tpu7x:2x2x1
jax: 0.10.2.dev20260603
libtpu: 0.0.44.dev20260713+nightly
codegen_flags: <defaults>
</compile_context>

<pallas_src>
import functools
import math

import jax
import jax.numpy as jnp
from jax import lax
from jax.experimental import pallas as pl
from jax.experimental.pallas import tpu as pltpu
from jax.experimental.pallas import tpu_sc as plsc

_NC = 80
_IOU_THR = 0.45
_HYP_CLS = 0.5
_HYP_BOX = 7.5
_EPS = 1e-7

_N = 5000
_M = 2000
_NPAD = 5120
_MPAD = 2048

_S = 2048
_NW = 32
_PW = _S // _NW
_GROUPS = _PW // 16
_CHUNKS = _MPAD // 16

_NT = _NPAD - _S
_RT = 1024

_mesh = plsc.VectorSubcoreMesh(core_axis_name="c", subcore_axis_name="s")


@functools.partial(
    pl.kernel,
    mesh=_mesh,
    out_type=[
        jax.ShapeDtypeStruct((_S,), jnp.float32),
        jax.ShapeDtypeStruct((_S,), jnp.float32),
        jax.ShapeDtypeStruct((_S,), jnp.float32),
        jax.ShapeDtypeStruct((_S,), jnp.float32),
        jax.ShapeDtypeStruct((_S,), jnp.float32),
        jax.ShapeDtypeStruct((_S,), jnp.float32),
        jax.ShapeDtypeStruct((_NW * _MPAD,), jnp.float32),
    ],
    scratch_types=[
        pltpu.VMEM((_PW * 16,), jnp.float32),
        pltpu.VMEM((_PW * 16,), jnp.float32),
        pltpu.VMEM((_PW * 16,), jnp.float32),
        pltpu.VMEM((_PW * 16,), jnp.float32),
        pltpu.VMEM((_MPAD,), jnp.float32),
        pltpu.VMEM((_MPAD,), jnp.float32),
        pltpu.VMEM((_MPAD,), jnp.float32),
        pltpu.VMEM((_MPAD,), jnp.float32),
        pltpu.VMEM((_MPAD,), jnp.float32),
        pltpu.VMEM((_MPAD,), jnp.float32),
        pltpu.VMEM((_PW,), jnp.float32),
        pltpu.VMEM((_PW,), jnp.float32),
        pltpu.VMEM((_PW,), jnp.float32),
        pltpu.VMEM((_PW,), jnp.float32),
        pltpu.VMEM((_PW,), jnp.float32),
        pltpu.VMEM((_PW,), jnp.float32),
        pltpu.VMEM((_MPAD,), jnp.float32),
        pltpu.VMEM((16,), jnp.float32),
        pltpu.VMEM((16,), jnp.int32),
    ],
    compiler_params=pltpu.CompilerParams(needs_layout_passes=False),
)
def _sc_match(px1_h, py1_h, px2_h, py2_h, tx1_h, ty1_h, tx2_h, ty2_h,
              a2e_h, tcls_h,
              mx_o, gx1_o, gy1_o, gx2_o, gy2_o, gcls_o, matched_o,
              px1_v, py1_v, px2_v, py2_v, tx1_v, ty1_v, tx2_v, ty2_v,
              a2e_v, tcls_v,
              mxb, x1b, y1b, x2b, y2b, clb, matched_v, bfly_f, bfly_i):
    wid = lax.axis_index("s") * 2 + lax.axis_index("c")
    base = wid * _PW

    pltpu.sync_copy(px1_h.at[pl.ds(base * 16, _PW * 16)], px1_v)
    pltpu.sync_copy(py1_h.at[pl.ds(base * 16, _PW * 16)], py1_v)
    pltpu.sync_copy(px2_h.at[pl.ds(base * 16, _PW * 16)], px2_v)
    pltpu.sync_copy(py2_h.at[pl.ds(base * 16, _PW * 16)], py2_v)
    pltpu.sync_copy(tx1_h, tx1_v)
    pltpu.sync_copy(ty1_h, ty1_v)
    pltpu.sync_copy(tx2_h, tx2_v)
    pltpu.sync_copy(ty2_h, ty2_v)
    pltpu.sync_copy(a2e_h, a2e_v)
    pltpu.sync_copy(tcls_h, tcls_v)

    lane = lax.iota(jnp.int32, 16)
    zf = jnp.zeros((16,), jnp.float32)

    def _allred_f(vec, op):
        for shift in (8, 4, 2, 1):
            bfly_f[...] = vec
            vec = op(vec, plsc.load_gather(bfly_f, [lane ^ shift]))
        return vec

    def _allred_i(vec, op):
        for shift in (8, 4, 2, 1):
            bfly_i[...] = vec
            vec = op(vec, plsc.load_gather(bfly_i, [lane ^ shift]))
        return vec

    def zero_body(j, _):
        matched_v[pl.ds(j * 16, 16)] = zf
        return 0

    lax.fori_loop(0, _CHUNKS, zero_body, 0)

    def group_body(g, _):
        def pred_body(k, acc):
            accmx, accidx = acc
            off = (g * 16 + k) * 16
            x1 = px1_v[pl.ds(off, 16)]
            y1 = py1_v[pl.ds(off, 16)]
            x2 = px2_v[pl.ds(off, 16)]
            y2 = py2_v[pl.ds(off, 16)]
            a1 = (x2 - x1) * (y2 - y1)

            def chunk_body(j, c):
                mxv, agv = c
                co = j * 16
                u1 = tx1_v[pl.ds(co, 16)]
                v1 = ty1_v[pl.ds(co, 16)]
                u2 = tx2_v[pl.ds(co, 16)]
                v2 = ty2_v[pl.ds(co, 16)]
                ae = a2e_v[pl.ds(co, 16)]
                iw = jnp.maximum(jnp.minimum(x2, u2) - jnp.maximum(x1, u1),
                                 0.0)
                ih = jnp.maximum(jnp.minimum(y2, v2) - jnp.maximum(y1, v1),
                                 0.0)
                inter = iw * ih
                iou = inter / ((a1 + ae) - inter)
                upd = iou > mxv
                mxv = jnp.where(upd, iou, mxv)
                agv = jnp.where(upd, lane + co, agv)
                return (mxv, agv)

            mxv, agv = lax.fori_loop(
                0, _CHUNKS, chunk_body,
                (jnp.full((16,), -1.0, jnp.float32),
                 jnp.zeros((16,), jnp.int32)))
            m = _allred_f(mxv, jnp.maximum)
            cand = jnp.where(mxv == m, agv,
                             jnp.full((16,), 2 * _MPAD, jnp.int32))
            idx = _allred_i(cand, jnp.minimum)
            sel = lane == k
            accmx = jnp.where(sel, m, accmx)
            accidx = jnp.where(sel, idx, accidx)
            return (accmx, accidx)

        accmx, accidx = lax.fori_loop(
            0, 16, pred_body, (zf, jnp.zeros((16,), jnp.int32)))

        gx1 = plsc.load_gather(tx1_v, [accidx])
        gy1 = plsc.load_gather(ty1_v, [accidx])
        gx2 = plsc.load_gather(tx2_v, [accidx])
        gy2 = plsc.load_gather(ty2_v, [accidx])
        gcl = plsc.load_gather(tcls_v, [accidx])
        plsc.store_scatter(matched_v, [accidx],
                           jnp.ones((16,), jnp.float32),
                           mask=accmx > _IOU_THR)

        o = g * 16
        mxb[pl.ds(o, 16)] = accmx
        x1b[pl.ds(o, 16)] = gx1
        y1b[pl.ds(o, 16)] = gy1
        x2b[pl.ds(o, 16)] = gx2
        y2b[pl.ds(o, 16)] = gy2
        clb[pl.ds(o, 16)] = gcl
        return 0

    lax.fori_loop(0, _GROUPS, group_body, 0)

    pltpu.sync_copy(mxb, mx_o.at[pl.ds(base, _PW)])
    pltpu.sync_copy(x1b, gx1_o.at[pl.ds(base, _PW)])
    pltpu.sync_copy(y1b, gy1_o.at[pl.ds(base, _PW)])
    pltpu.sync_copy(x2b, gx2_o.at[pl.ds(base, _PW)])
    pltpu.sync_copy(y2b, gy2_o.at[pl.ds(base, _PW)])
    pltpu.sync_copy(clb, gcls_o.at[pl.ds(base, _PW)])
    pltpu.sync_copy(matched_v, matched_o.at[pl.ds(wid * _MPAD, _MPAD)])


def _atan(x):
    t = jnp.abs(x)
    c1 = t > 2.414213562373095
    c2 = t > 0.4142135623730951
    xr = jnp.where(c1, -1.0 / jnp.maximum(t, 1e-30),
                   jnp.where(c2, (t - 1.0) / (t + 1.0), t))
    y0 = jnp.where(c1, math.pi / 2, jnp.where(c2, math.pi / 4, 0.0))
    z = xr * xr
    p = (((8.05374449538e-2 * z - 1.38776856032e-1) * z
          + 1.99777106478e-1) * z - 3.33329491539e-1) * z * xr + xr
    return jnp.sign(x) * (y0 + p)


def _row_losses(px1, py1, px2, py2, s, pcls, keep,
                m_x1, m_y1, m_x2, m_y2, m_cls):
    s_pos = s > 0.0
    logs = jnp.where(s_pos, jnp.log(jnp.where(s_pos, s, 1.0)), -100.0)
    log1ms = jnp.maximum(jnp.log1p(-s), -100.0)
    same = m_cls == pcls
    bce = jnp.where(keep, jnp.where(same, -logs, 100.0 - log1ms), 0.0)
    unm = jnp.where(~keep, logs, 0.0)

    w1 = px2 - px1
    h1 = py2 - py1 + _EPS
    w2 = m_x2 - m_x1
    h2 = m_y2 - m_y1 + _EPS
    inter_c = (jnp.maximum(jnp.minimum(px2, m_x2) - jnp.maximum(px1, m_x1),
                           0.0)
               * jnp.maximum(jnp.minimum(py2, m_y2) - jnp.maximum(py1, m_y1),
                             0.0))
    union_c = w1 * h1 + w2 * h2 - inter_c + _EPS
    iou_c = inter_c / union_c
    cw = jnp.maximum(px2, m_x2) - jnp.minimum(px1, m_x1)
    ch = jnp.maximum(py2, m_y2) - jnp.minimum(py1, m_y1)
    c2 = cw * cw + ch * ch + _EPS
    rho2 = ((m_x1 + m_x2 - px1 - px2) ** 2
            + (m_y1 + m_y2 - py1 - py2) ** 2) / 4.0
    datan = _atan((w2 * h1 - w1 * h2) / (h1 * h2 + w1 * w2))
    v = (4.0 / math.pi ** 2) * datan ** 2
    alpha = v / (v - iou_c + (1.0 + _EPS))
    ciou = iou_c - (rho2 / c2 + v * alpha)
    bbox = jnp.where(keep, 1.0 - ciou, 0.0)
    return bce, unm, bbox


def _tc_body(preds_ref, tgt_ref, tgt2_ref, scal_ref, colm_ref, sacc_ref):
    i = pl.program_id(0)
    nt = pl.num_programs(0)

    @pl.when(i == 0)
    def _init():
        colm_ref[0:1, :] = jnp.zeros((1, _MPAD), jnp.float32)
        for k in range(4):
            sacc_ref[k] = 0.0

    P = preds_ref[...]
    px1 = P[:, 0:1]
    py1 = P[:, 1:2]
    px2 = P[:, 2:3]
    py2 = P[:, 3:4]
    s = P[:, 4:5]
    pcls = P[:, 5:6]

    T = tgt_ref[...]
    tx1 = T[0:1, :]
    ty1 = T[1:2, :]
    tx2 = T[2:3, :]
    ty2 = T[3:4, :]
    a2e = T[5:6, :]

    col = jax.lax.broadcasted_iota(jnp.int32, (1, _MPAD), 1).astype(
        jnp.float32)

    a1 = (px2 - px1) * (py2 - py1)
    iw = jnp.maximum(jnp.minimum(px2, tx2) - jnp.maximum(px1, tx1), 0.0)
    ih = jnp.maximum(jnp.minimum(py2, ty2) - jnp.maximum(py1, ty1), 0.0)
    inter = iw * ih
    iou = inter / ((a1 + a2e) - inter)

    mx = jnp.max(iou, axis=1, keepdims=True)
    idxv = jnp.min(jnp.where(iou == mx, col, float(2 * _MPAD)),
                   axis=1, keepdims=True)
    ohf = (col == idxv).astype(jnp.float32)

    keep = mx > _IOU_THR
    kf = keep.astype(jnp.float32)

    m = jax.lax.dot_general(ohf, tgt2_ref[...], (((1,), (0,)), ((), ())),
                            preferred_element_type=jnp.float32)

    bce, unm, bbox = _row_losses(px1, py1, px2, py2, s, pcls, keep,
                                 m[:, 0:1], m[:, 1:2], m[:, 2:3], m[:, 3:4],
                                 m[:, 4:5])

    sacc_ref[0] += jnp.sum(kf)
    sacc_ref[1] += jnp.sum(bce)
    sacc_ref[2] += jnp.sum(unm)
    sacc_ref[3] += jnp.sum(bbox)
    colm = jax.lax.dot_general(kf, ohf, (((0,), (0,)), ((), ())),
                               preferred_element_type=jnp.float32)
    colm_ref[0:1, :] += colm

    @pl.when(i == nt - 1)
    def _fin():
        r = jax.lax.broadcasted_iota(jnp.int32, (8, 128), 0)
        c = jax.lax.broadcasted_iota(jnp.int32, (8, 128), 1)
        vals = jnp.where(
            c == 0, sacc_ref[0],
            jnp.where(c == 1, sacc_ref[1],
                      jnp.where(c == 2, sacc_ref[2], sacc_ref[3])))
        scal_ref[...] = jnp.where(r == 0, vals, 0.0)


def _epi_body(px1_r, py1_r, px2_r, py2_r, s_r, pcls_r,
              mx_r, gx1_r, gy1_r, gx2_r, gy2_r, gcls_r,
              m32_r, tscal_r, tcolm_r, out_ref):
    keep = mx_r[...] > _IOU_THR
    bce, unm, bbox = _row_losses(
        px1_r[...], py1_r[...], px2_r[...], py2_r[...], s_r[...], pcls_r[...],
        keep, gx1_r[...], gy1_r[...], gx2_r[...], gy2_r[...], gcls_r[...])

    ts = tscal_r[...]
    nk = jnp.maximum(jnp.sum(keep.astype(jnp.float32)) + ts[0, 0], 1.0)
    bce_sum = jnp.sum(bce) + ts[0, 1]
    unm_sum = jnp.sum(unm) + ts[0, 2]
    bbox_sum = jnp.sum(bbox) + ts[0, 3]

    matched = (jnp.max(m32_r[...], axis=0, keepdims=True)
               + tcolm_r[0:1, :]) > 0.0
    matched_cnt = jnp.sum(matched.astype(jnp.float32))

    cls_loss = (bce_sum / (nk * float(_NC)) - unm_sum
                + (float(_M) - matched_cnt))
    total = _HYP_CLS * cls_loss + _HYP_BOX * (bbox_sum / nk)
    out_ref[...] = jnp.full((8, 128), total, jnp.float32)


def kernel(preds, targets):
    pf = preds.astype(jnp.float32)
    tf = targets.astype(jnp.float32)

    preds_pad = jnp.zeros((_NPAD, 8), jnp.float32).at[:, 4].set(1.0)
    preds_pad = preds_pad.at[:_N, :6].set(pf)

    px1b = jnp.repeat(preds_pad[:_S, 0], 16)
    py1b = jnp.repeat(preds_pad[:_S, 1], 16)
    px2b = jnp.repeat(preds_pad[:_S, 2], 16)
    py2b = jnp.repeat(preds_pad[:_S, 3], 16)

    tx1 = jnp.zeros((_MPAD,), jnp.float32).at[:_M].set(tf[:, 0])
    ty1 = jnp.zeros((_MPAD,), jnp.float32).at[:_M].set(tf[:, 1])
    tx2 = jnp.zeros((_MPAD,), jnp.float32).at[:_M].set(tf[:, 2])
    ty2 = jnp.zeros((_MPAD,), jnp.float32).at[:_M].set(tf[:, 3])
    tcl = jnp.zeros((_MPAD,), jnp.float32).at[:_M].set(tf[:, 4])
    a2 = (tf[:, 2] - tf[:, 0]) * (tf[:, 3] - tf[:, 1])
    a2e = jnp.full((_MPAD,), _EPS, jnp.float32).at[:_M].add(a2)

    mx, gx1, gy1, gx2, gy2, gcl, matched = _sc_match(
        px1b, py1b, px2b, py2b, tx1, ty1, tx2, ty2, a2e, tcl)

    tgt_t = jnp.zeros((8, _MPAD), jnp.float32)
    tgt_t = tgt_t.at[:5, :_M].set(tf.T)
    tgt_t = tgt_t.at[5, :].set(_EPS)
    tgt_t = tgt_t.at[5, :_M].add(a2)
    tgt2 = jnp.zeros((_MPAD, 8), jnp.float32)
    tgt2 = tgt2.at[:_M, :5].set(tf)

    tscal, tcolm = pl.pallas_call(
        _tc_body,
        grid=(_NT // _RT,),
        in_specs=[
            pl.BlockSpec((_RT, 8), lambda i: (i, 0)),
            pl.BlockSpec((8, _MPAD), lambda i: (0, 0)),
            pl.BlockSpec((_MPAD, 8), lambda i: (0, 0)),
        ],
        out_specs=[
            pl.BlockSpec((8, 128), lambda i: (0, 0)),
            pl.BlockSpec((8, _MPAD), lambda i: (0, 0)),
        ],
        out_shape=[
            jax.ShapeDtypeStruct((8, 128), jnp.float32),
            jax.ShapeDtypeStruct((8, _MPAD), jnp.float32),
        ],
        scratch_shapes=[pltpu.SMEM((8,), jnp.float32)],
        compiler_params=pltpu.CompilerParams(
            dimension_semantics=("arbitrary",),
        ),
    )(preds_pad[_S:], tgt_t, tgt2)

    rs = (_S // 128, 128)
    out = pl.pallas_call(
        _epi_body,
        out_specs=pl.BlockSpec((8, 128), lambda: (0, 0)),
        out_shape=jax.ShapeDtypeStruct((8, 128), jnp.float32),
    )(
        preds_pad[:_S, 0].reshape(rs), preds_pad[:_S, 1].reshape(rs),
        preds_pad[:_S, 2].reshape(rs), preds_pad[:_S, 3].reshape(rs),
        preds_pad[:_S, 4].reshape(rs), preds_pad[:_S, 5].reshape(rs),
        mx.reshape(rs), gx1.reshape(rs), gy1.reshape(rs),
        gx2.reshape(rs), gy2.reshape(rs), gcl.reshape(rs),
        matched.reshape(_NW, _MPAD), tscal, tcolm,
    )
    return out[0, 0]

# --- scband reference (transcript-rebuilt; emitter-appended) ---
"""Pipeline reference for scband-post-nmsloss-29128468201864 (READ-ONLY COPY).

The authoritative reference and input builder live on the scoring server;
editing this copy changes nothing except your own understanding.
"""

import jax, jax.numpy as jnp
import numpy as np
import math

NC = 80
IOU_THR = 0.45
HYP_CLS = 0.5
HYP_BOX = 7.5
EPS = 1e-7


def setup_inputs(seed: int = 0):
    key = jax.random.key(seed)
    kM, kW, kC, kI, kJ, kS, kP, kQ = jax.random.split(key, 8)
    M, N = 2000, 5000
    cxcy = jax.random.uniform(kM, (M, 2), minval=32.0, maxval=608.0)
    wh = jax.random.uniform(kW, (M, 2), minval=16.0, maxval=128.0)
    tb = jnp.concatenate([cxcy - wh / 2, cxcy + wh / 2], axis=1)
    tb = jnp.clip(tb, 0.0, 640.0)
    tcls = jax.random.randint(kC, (M,), 0, NC)
    targets = jnp.concatenate([tb, tcls[:, None].astype(jnp.float32)], axis=1)
    idx = jax.random.randint(kI, (N,), 0, M)
    jitter = jax.random.normal(kJ, (N, 4)) * 6.0
    pb = tb[idx] + jitter
    x1 = jnp.minimum(pb[:, 0], pb[:, 2] - 1.0)
    x2 = jnp.maximum(pb[:, 0] + 1.0, pb[:, 2])
    y1 = jnp.minimum(pb[:, 1], pb[:, 3] - 1.0)
    y2 = jnp.maximum(pb[:, 1] + 1.0, pb[:, 3])
    pb = jnp.clip(jnp.stack([x1, y1, x2, y2], axis=1), 0.0, 640.0)
    scores = jax.random.uniform(kS, (N,), minval=0.05, maxval=0.95)
    same = jax.random.uniform(kP, (N,)) < 0.85
    rnd_cls = jax.random.randint(kQ, (N,), 0, NC)
    pcls = jnp.where(same, tcls[idx], rnd_cls).astype(jnp.float32)
    preds = jnp.concatenate([pb, scores[:, None], pcls[:, None]], axis=1)
    return {"preds": preds, "targets": targets}


def _pairwise_iou(boxes1, boxes2):
    # boxes1 [N,4], boxes2 [M,4] in xyxy -> [N,M]
    a1 = (boxes1[:, 2] - boxes1[:, 0]) * (boxes1[:, 3] - boxes1[:, 1])
    a2 = (boxes2[:, 2] - boxes2[:, 0]) * (boxes2[:, 3] - boxes2[:, 1])
    lt = jnp.maximum(boxes1[:, None, :2], boxes2[None, :, :2])
    rb = jnp.minimum(boxes1[:, None, 2:], boxes2[None, :, 2:])
    whi = jnp.clip(rb - lt, 0.0)
    inter = whi[..., 0] * whi[..., 1]
    return inter / (a1[:, None] + a2[None, :] - inter + EPS)


def _bbox_ciou(box1, box2):
    # elementwise CIoU, xywh=False (xyxy), matching ultralytics bbox_iou
    b1x1, b1y1, b1x2, b1y2 = box1[:, 0], box1[:, 1], box1[:, 2], box1[:, 3]
    b2x1, b2y1, b2x2, b2y2 = box2[:, 0], box2[:, 1], box2[:, 2], box2[:, 3]
    w1, h1 = b1x2 - b1x1, b1y2 - b1y1 + EPS
    w2, h2 = b2x2 - b2x1, b2y2 - b2y1 + EPS
    inter = jnp.clip(jnp.minimum(b1x2, b2x2) - jnp.maximum(b1x1, b2x1), 0.0) * \
            jnp.clip(jnp.minimum(b1y2, b2y2) - jnp.maximum(b1y1, b2y1), 0.0)
    union = w1 * h1 + w2 * h2 - inter + EPS
    iou = inter / union
    cw = jnp.maximum(b1x2, b2x2) - jnp.minimum(b1x1, b2x1)
    ch = jnp.maximum(b1y2, b2y2) - jnp.minimum(b1y1, b2y1)
    c2 = cw ** 2 + ch ** 2 + EPS
    rho2 = ((b2x1 + b2x2 - b1x1 - b1x2) ** 2 + (b2y1 + b2y2 - b1y1 - b1y2) ** 2) / 4.0
    v = (4.0 / math.pi ** 2) * (jnp.arctan(w2 / h2) - jnp.arctan(w1 / h1)) ** 2
    alpha = jax.lax.stop_gradient(v / (v - iou + (1.0 + EPS)))
    return iou - (rho2 / c2 + v * alpha)


def reference(preds, targets):
    N = preds.shape[0]
    M = targets.shape[0]
    pred_boxes = preds[:, :4]
    pred_scores = preds[:, 4]
    pred_cls = jnp.asarray(jax.lax.stop_gradient(preds[:, 5]), jnp.int32)
    tgt_boxes = targets[:, :4]
    tgt_cls = jnp.asarray(jax.lax.stop_gradient(targets[:, 4]), jnp.int32)

    # match_predictions_to_targets
    ious = _pairwise_iou(pred_boxes, tgt_boxes)
    max_ious = jnp.max(ious, axis=1)
    idx = jnp.argmax(ious, axis=1)
    keep = max_ious > IOU_THR
    kf = keep.astype(jnp.float32)
    n_kept = jnp.maximum(kf.sum(), 1.0)

    m_tgt_boxes = tgt_boxes[idx]
    m_tgt_cls = tgt_cls[idx]

    # BCE over matched set (one-hot targets, scattered pred scores); unkept rows
    # are all-zero (p=0, t=0 -> elementwise bce 0) so we divide by n_kept*nc.
    rows = jnp.arange(N)
    p_mat = jnp.zeros((N, NC), jnp.float32).at[rows, pred_cls].set(pred_scores * kf)
    t_mat = jnp.zeros((N, NC), jnp.float32).at[rows, m_tgt_cls].set(kf)
    safe_p = jnp.where(p_mat > 0, p_mat, 1.0)
    logp = jnp.where(p_mat > 0, jnp.log(safe_p), -100.0)  # torch BCE clamps log at -100
    log1mp = jnp.maximum(jnp.log1p(-p_mat), -100.0)
    bce_el = -(t_mat * logp + (1.0 - t_mat) * log1mp)
    cls_loss = bce_el.sum() / (n_kept * NC)

    # unmatched preds: -= sum(log(score)) over preds below IoU threshold
    cls_loss = cls_loss - jnp.where(~keep, jnp.log(pred_scores), 0.0).sum()

    # unmatched targets: += count of gt boxes never matched
    matched_any = jnp.zeros((M,), jnp.float32).at[idx].add(kf) > 0
    cls_loss = cls_loss + (M - matched_any.sum()).astype(jnp.float32)

    # BboxLoss: (1 - CIoU).sum() / n_matched over matched pairs
    ciou = _bbox_ciou(pred_boxes, m_tgt_boxes)
    bbox_loss = (kf * (1.0 - ciou)).sum() / n_kept

    total_loss = HYP_CLS * cls_loss + HYP_BOX * bbox_loss
    return total_loss

if __name__ == "__main__":
    import jax
    _d = setup_inputs()
    print(jax.jit(kernel)(*tuple(_d.values())))

</pallas_src>

<mosaic_0001>
#map = affine_map<(d0, d1) -> (0)>
module attributes {stable_mosaic.version = 14 : i64} {
  func.func @_sc_match(%arg0: i32, %arg1: i32, %arg2: memref<32768xf32, #tpu.memory_space<hbm>>, %arg3: memref<32768xf32, #tpu.memory_space<hbm>>, %arg4: memref<32768xf32, #tpu.memory_space<hbm>>, %arg5: memref<32768xf32, #tpu.memory_space<hbm>>, %arg6: memref<2048xf32, #tpu.memory_space<hbm>>, %arg7: memref<2048xf32, #tpu.memory_space<hbm>>, %arg8: memref<2048xf32, #tpu.memory_space<hbm>>, %arg9: memref<2048xf32, #tpu.memory_space<hbm>>, %arg10: memref<2048xf32, #tpu.memory_space<hbm>>, %arg11: memref<2048xf32, #tpu.memory_space<hbm>>, %arg12: memref<2048xf32, #tpu.memory_space<hbm>>, %arg13: memref<2048xf32, #tpu.memory_space<hbm>>, %arg14: memref<2048xf32, #tpu.memory_space<hbm>>, %arg15: memref<2048xf32, #tpu.memory_space<hbm>>, %arg16: memref<2048xf32, #tpu.memory_space<hbm>>, %arg17: memref<2048xf32, #tpu.memory_space<hbm>>, %arg18: memref<65536xf32, #tpu.memory_space<hbm>>, %arg19: memref<1024xf32, #tpu.memory_space<vmem>>, %arg20: memref<1024xf32, #tpu.memory_space<vmem>>, %arg21: memref<1024xf32, #tpu.memory_space<vmem>>, %arg22: memref<1024xf32, #tpu.memory_space<vmem>>, %arg23: memref<2048xf32, #tpu.memory_space<vmem>>, %arg24: memref<2048xf32, #tpu.memory_space<vmem>>, %arg25: memref<2048xf32, #tpu.memory_space<vmem>>, %arg26: memref<2048xf32, #tpu.memory_space<vmem>>, %arg27: memref<2048xf32, #tpu.memory_space<vmem>>, %arg28: memref<2048xf32, #tpu.memory_space<vmem>>, %arg29: memref<64xf32, #tpu.memory_space<vmem>>, %arg30: memref<64xf32, #tpu.memory_space<vmem>>, %arg31: memref<64xf32, #tpu.memory_space<vmem>>, %arg32: memref<64xf32, #tpu.memory_space<vmem>>, %arg33: memref<64xf32, #tpu.memory_space<vmem>>, %arg34: memref<64xf32, #tpu.memory_space<vmem>>, %arg35: memref<2048xf32, #tpu.memory_space<vmem>>, %arg36: memref<16xf32, #tpu.memory_space<vmem>>, %arg37: memref<16xi32, #tpu.memory_space<vmem>>) attributes {dimension_semantics = [#tpu.dimension_semantics<core_parallel>, #tpu.dimension_semantics<subcore_parallel>], iteration_bounds = array<i64: 2, 16>, scalar_prefetch = 0 : i64, scratch_operands = 19 : i64, tpu.core_type = #tpu.core_type<sc_vector_subcore>, window_params = [{transform_indices = #map}, {transform_indices = #map}, {transform_indices = #map}, {transform_indices = #map}, {transform_indices = #map}, {transform_indices = #map}, {transform_indices = #map}, {transform_indices = #map}, {transform_indices = #map}, {transform_indices = #map}, {transform_indices = #map}, {transform_indices = #map}, {transform_indices = #map}, {transform_indices = #map}, {transform_indices = #map}, {transform_indices = #map}, {transform_indices = #map}]} {
    %mul3A = arith.constant 2 : i32
    %mul3A_0 = arith.muli %arg1, %mul3A : i32
    %add3A = arith.addi %mul3A_0, %arg0 : i32
    %mul3A_1 = arith.constant 64 : i32
    %mul3A_2 = arith.muli %add3A, %mul3A_1 : i32
    %mul3A_3 = arith.constant 16 : i32
    %mul3A_4 = arith.muli %mul3A_2, %mul3A_3 : i32
    "tpu.region"() ({
      %run_scoped3A = tpu.sem_alloc : memref<!tpu.dma_semaphore, #tpu.memory_space<semaphore_mem>>
      %dma_start3A = tpu.memref_slice %arg2[%mul3A_4] : memref<32768xf32, #tpu.memory_space<hbm>> -> memref<1024xf32, #tpu.memory_space<hbm>>
      %dma_start3A_27 = tpu.memref_slice %arg2[%mul3A_4] : memref<32768xf32, #tpu.memory_space<hbm>> -> memref<1024xf32, #tpu.memory_space<hbm>>
      tpu.enqueue_dma source(%dma_start3A_27 : memref<1024xf32, #tpu.memory_space<hbm>>) target(%arg19 : memref<1024xf32, #tpu.memory_space<vmem>>) target_semaphore(%run_scoped3A : memref<!tpu.dma_semaphore, #tpu.memory_space<semaphore_mem>>)
      %dma_wait3A = tpu.memref_slice %arg2[%mul3A_4] : memref<32768xf32, #tpu.memory_space<hbm>> -> memref<1024xf32, #tpu.memory_space<hbm>>
      %dma_wait3A_28 = tpu.memref_slice %arg2[%mul3A_4] : memref<32768xf32, #tpu.memory_space<hbm>> -> memref<1024xf32, #tpu.memory_space<hbm>>
      tpu.wait_dma2 semaphore(%run_scoped3A : memref<!tpu.dma_semaphore, #tpu.memory_space<semaphore_mem>>) src(%dma_wait3A_28 : memref<1024xf32, #tpu.memory_space<hbm>>) dst(%arg19 : memref<1024xf32, #tpu.memory_space<vmem>>)
      tpu.yield
    }) : () -> ()
    %mul3A_5 = arith.constant 16 : i32
    %mul3A_6 = arith.muli %mul3A_2, %mul3A_5 : i32
    "tpu.region"() ({
      %run_scoped3A = tpu.sem_alloc : memref<!tpu.dma_semaphore, #tpu.memory_space<semaphore_mem>>
      %dma_start3A = tpu.memref_slice %arg3[%mul3A_6] : memref<32768xf32, #tpu.memory_space<hbm>> -> memref<1024xf32, #tpu.memory_space<hbm>>
      %dma_start3A_27 = tpu.memref_slice %arg3[%mul3A_6] : memref<32768xf32, #tpu.memory_space<hbm>> -> memref<1024xf32, #tpu.memory_space<hbm>>
      tpu.enqueue_dma source(%dma_start3A_27 : memref<1024xf32, #tpu.memory_space<hbm>>) target(%arg20 : memref<1024xf32, #tpu.memory_space<vmem>>) target_semaphore(%run_scoped3A : memref<!tpu.dma_semaphore, #tpu.memory_space<semaphore_mem>>)
      %dma_wait3A = tpu.memref_slice %arg3[%mul3A_6] : memref<32768xf32, #tpu.memory_space<hbm>> -> memref<1024xf32, #tpu.memory_space<hbm>>
      %dma_wait3A_28 = tpu.memref_slice %arg3[%mul3A_6] : memref<32768xf32, #tpu.memory_space<hbm>> -> memref<1024xf32, #tpu.memory_space<hbm>>
      tpu.wait_dma2 semaphore(%run_scoped3A : memref<!tpu.dma_semaphore, #tpu.memory_space<semaphore_mem>>) src(%dma_wait3A_28 : memref<1024xf32, #tpu.memory_space<hbm>>) dst(%arg20 : memref<1024xf32, #tpu.memory_space<vmem>>)
      tpu.yield
    }) : () -> ()
    %mul3A_7 = arith.constant 16 : i32
    %mul3A_8 = arith.muli %mul3A_2, %mul3A_7 : i32
    "tpu.region"() ({
      %run_scoped3A = tpu.sem_alloc : memref<!tpu.dma_semaphore, #tpu.memory_space<semaphore_mem>>
      %dma_start3A = tpu.memref_slice %arg4[%mul3A_8] : memref<32768xf32, #tpu.memory_space<hbm>> -> memref<1024xf32, #tpu.memory_space<hbm>>
      %dma_start3A_27 = tpu.memref_slice %arg4[%mul3A_8] : memref<32768xf32, #tpu.memory_space<hbm>> -> memref<1024xf32, #tpu.memory_space<hbm>>
      tpu.enqueue_dma source(%dma_start3A_27 : memref<1024xf32, #tpu.memory_space<hbm>>) target(%arg21 : memref<1024xf32, #tpu.memory_space<vmem>>) target_semaphore(%run_scoped3A : memref<!tpu.dma_semaphore, #tpu.memory_space<semaphore_mem>>)
      %dma_wait3A = tpu.memref_slice %arg4[%mul3A_8] : memref<32768xf32, #tpu.memory_space<hbm>> -> memref<1024xf32, #tpu.memory_space<hbm>>
      %dma_wait3A_28 = tpu.memref_slice %arg4[%mul3A_8] : memref<32768xf32, #tpu.memory_space<hbm>> -> memref<1024xf32, #tpu.memory_space<hbm>>
      tpu.wait_dma2 semaphore(%run_scoped3A : memref<!tpu.dma_semaphore, #tpu.memory_space<semaphore_mem>>) src(%dma_wait3A_28 : memref<1024xf32, #tpu.memory_space<hbm>>) dst(%arg21 : memref<1024xf32, #tpu.memory_space<vmem>>)
      tpu.yield
    }) : () -> ()
    %mul3A_9 = arith.constant 16 : i32
    %mul3A_10 = arith.muli %mul3A_2, %mul3A_9 : i32
    "tpu.region"() ({
      %run_scoped3A = tpu.sem_alloc : memref<!tpu.dma_semaphore, #tpu.memory_space<semaphore_mem>>
      %dma_start3A = tpu.memref_slice %arg5[%mul3A_10] : memref<32768xf32, #tpu.memory_space<hbm>> -> memref<1024xf32, #tpu.memory_space<hbm>>
      %dma_start3A_27 = tpu.memref_slice %arg5[%mul3A_10] : memref<32768xf32, #tpu.memory_space<hbm>> -> memref<1024xf32, #tpu.memory_space<hbm>>
      tpu.enqueue_dma source(%dma_start3A_27 : memref<1024xf32, #tpu.memory_space<hbm>>) target(%arg22 : memref<1024xf32, #tpu.memory_space<vmem>>) target_semaphore(%run_scoped3A : memref<!tpu.dma_semaphore, #tpu.memory_space<semaphore_mem>>)
      %dma_wait3A = tpu.memref_slice %arg5[%mul3A_10] : memref<32768xf32, #tpu.memory_space<hbm>> -> memref<1024xf32, #tpu.memory_space<hbm>>
      %dma_wait3A_28 = tpu.memref_slice %arg5[%mul3A_10] : memref<32768xf32, #tpu.memory_space<hbm>> -> memref<1024xf32, #tpu.memory_space<hbm>>
      tpu.wait_dma2 semaphore(%run_scoped3A : memref<!tpu.dma_semaphore, #tpu.memory_space<semaphore_mem>>) src(%dma_wait3A_28 : memref<1024xf32, #tpu.memory_space<hbm>>) dst(%arg22 : memref<1024xf32, #tpu.memory_space<vmem>>)
      tpu.yield
    }) : () -> ()
    "tpu.region"() ({
      %run_scoped3A = tpu.sem_alloc : memref<!tpu.dma_semaphore, #tpu.memory_space<semaphore_mem>>
      tpu.enqueue_dma source(%arg6 : memref<2048xf32, #tpu.memory_space<hbm>>) target(%arg23 : memref<2048xf32, #tpu.memory_space<vmem>>) target_semaphore(%run_scoped3A : memref<!tpu.dma_semaphore, #tpu.memory_space<semaphore_mem>>)
      tpu.wait_dma2 semaphore(%run_scoped3A : memref<!tpu.dma_semaphore, #tpu.memory_space<semaphore_mem>>) src(%arg6 : memref<2048xf32, #tpu.memory_space<hbm>>) dst(%arg23 : memref<2048xf32, #tpu.memory_space<vmem>>)
      tpu.yield
    }) : () -> ()
    "tpu.region"() ({
      %run_scoped3A = tpu.sem_alloc : memref<!tpu.dma_semaphore, #tpu.memory_space<semaphore_mem>>
      tpu.enqueue_dma source(%arg7 : memref<2048xf32, #tpu.memory_space<hbm>>) target(%arg24 : memref<2048xf32, #tpu.memory_space<vmem>>) target_semaphore(%run_scoped3A : memref<!tpu.dma_semaphore, #tpu.memory_space<semaphore_mem>>)
      tpu.wait_dma2 semaphore(%run_scoped3A : memref<!tpu.dma_semaphore, #tpu.memory_space<semaphore_mem>>) src(%arg7 : memref<2048xf32, #tpu.memory_space<hbm>>) dst(%arg24 : memref<2048xf32, #tpu.memory_space<vmem>>)
      tpu.yield
    }) : () -> ()
    "tpu.region"() ({
      %run_scoped3A = tpu.sem_alloc : memref<!tpu.dma_semaphore, #tpu.memory_space<semaphore_mem>>
      tpu.enqueue_dma source(%arg8 : memref<2048xf32, #tpu.memory_space<hbm>>) target(%arg25 : memref<2048xf32, #tpu.memory_space<vmem>>) target_semaphore(%run_scoped3A : memref<!tpu.dma_semaphore, #tpu.memory_space<semaphore_mem>>)
      tpu.wait_dma2 semaphore(%run_scoped3A : memref<!tpu.dma_semaphore, #tpu.memory_space<semaphore_mem>>) src(%arg8 : memref<2048xf32, #tpu.memory_space<hbm>>) dst(%arg25 : memref<2048xf32, #tpu.memory_space<vmem>>)
      tpu.yield
    }) : () -> ()
    "tpu.region"() ({
      %run_scoped3A = tpu.sem_alloc : memref<!tpu.dma_semaphore, #tpu.memory_space<semaphore_mem>>
      tpu.enqueue_dma source(%arg9 : memref<2048xf32, #tpu.memory_space<hbm>>) target(%arg26 : memref<2048xf32, #tpu.memory_space<vmem>>) target_semaphore(%run_scoped3A : memref<!tpu.dma_semaphore, #tpu.memory_space<semaphore_mem>>)
      tpu.wait_dma2 semaphore(%run_scoped3A : memref<!tpu.dma_semaphore, #tpu.memory_space<semaphore_mem>>) src(%arg9 : memref<2048xf32, #tpu.memory_space<hbm>>) dst(%arg26 : memref<2048xf32, #tpu.memory_space<vmem>>)
      tpu.yield
    }) : () -> ()
    "tpu.region"() ({
      %run_scoped3A = tpu.sem_alloc : memref<!tpu.dma_semaphore, #tpu.memory_space<semaphore_mem>>
      tpu.enqueue_dma source(%arg10 : memref<2048xf32, #tpu.memory_space<hbm>>) target(%arg27 : memref<2048xf32, #tpu.memory_space<vmem>>) target_semaphore(%run_scoped3A : memref<!tpu.dma_semaphore, #tpu.memory_space<semaphore_mem>>)
      tpu.wait_dma2 semaphore(%run_scoped3A : memref<!tpu.dma_semaphore, #tpu.memory_space<semaphore_mem>>) src(%arg10 : memref<2048xf32, #tpu.memory_space<hbm>>) dst(%arg27 : memref<2048xf32, #tpu.memory_space<vmem>>)
      tpu.yield
    }) : () -> ()
    "tpu.region"() ({
      %run_scoped3A = tpu.sem_alloc : memref<!tpu.dma_semaphore, #tpu.memory_space<semaphore_mem>>
      tpu.enqueue_dma source(%arg11 : memref<2048xf32, #tpu.memory_space<hbm>>) target(%arg28 : memref<2048xf32, #tpu.memory_space<vmem>>) target_semaphore(%run_scoped3A : memref<!tpu.dma_semaphore, #tpu.memory_space<semaphore_mem>>)
      tpu.wait_dma2 semaphore(%run_scoped3A : memref<!tpu.dma_semaphore, #tpu.memory_space<semaphore_mem>>) src(%arg11 : memref<2048xf32, #tpu.memory_space<hbm>>) dst(%arg28 : memref<2048xf32, #tpu.memory_space<vmem>>)
      tpu.yield
    }) : () -> ()
    %iota3A = tpu.iota {dimensions = array<i32: 0>} : vector<16xi32>
    %broadcast_in_dim3A = arith.constant 0.000000e+00 : f32
    %broadcast_in_dim3A_11 = vector.broadcast %broadcast_in_dim3A : f32 to vector<16xf32>
    %scan3A = arith.constant 0 : i32
    %scan3A_12 = arith.constant 0 : i32
    %scan3A_13 = arith.constant 128 : i32
    %scan3A_14 = arith.addi %scan3A_12, %scan3A_13 : i32
    %scan3A_15 = arith.constant 1 : i32
    %scan3A_16 = scf.for %scan3A_27 = %scan3A_12 to %scan3A_14 step %scan3A_15 iter_args(%scan3A_28 = %scan3A) -> (i32)  : i32 {
      %mul3A_29 = arith.constant 16 : i32
      %mul3A_30 = arith.muli %scan3A_27, %mul3A_29 : i32
      %swap3A = arith.index_cast %mul3A_30 : i32 to index
      %swap3A_31 = tpu.vector_load %arg35[%swap3A] {strides = array<i32>} : memref<2048xf32, #tpu.memory_space<vmem>>, vector<16xf32>,
      tpu.vector_store %arg35[%swap3A], %broadcast_in_dim3A_11 {strides = array<i32>} : memref<2048xf32, #tpu.memory_space<vmem>>, vector<16xf32>,
      %scan3A_32 = arith.constant 0 : i32
      scf.yield %scan3A_32 : i32
    }
    %scan3A_17 = arith.constant 128 : i32
    %scan3A_18 = arith.constant 0 : i32
    %scan3A_19 = arith.constant 0 : i32
    %scan3A_20 = arith.constant 4 : i32
    %scan3A_21 = arith.addi %scan3A_19, %scan3A_20 : i32
    %scan3A_22 = arith.constant 1 : i32
    %scan3A_23 = scf.for %scan3A_27 = %scan3A_19 to %scan3A_21 step %scan3A_22 iter_args(%scan3A_28 = %scan3A_18) -> (i32)  : i32 {
      %broadcast_in_dim3A_29 = arith.constant 0 : i32
      %broadcast_in_dim3A_30 = vector.broadcast %broadcast_in_dim3A_29 : i32 to vector<16xi32>
      %scan3A_31 = arith.constant 0 : i32
      %scan3A_32 = arith.constant 16 : i32
      %scan3A_33 = arith.addi %scan3A_31, %scan3A_32 : i32
      %scan3A_34 = arith.constant 1 : i32
      %scan3A_35:2 = scf.for %scan3A_59 = %scan3A_31 to %scan3A_33 step %scan3A_34 iter_args(%scan3A_60 = %broadcast_in_dim3A_11, %scan3A_61 = %broadcast_in_dim3A_30) -> (vector<16xf32>, vector<16xi32>)  : i32 {
        %mul3A_62 = arith.constant 16 : i32
        %mul3A_63 = arith.muli %scan3A_27, %mul3A_62 : i32
        %add3A_64 = arith.addi %mul3A_63, %scan3A_59 : i32
        %mul3A_65 = arith.constant 16 : i32
        %mul3A_66 = arith.muli %add3A_64, %mul3A_65 : i32
        %get3A = arith.index_cast %mul3A_66 : i32 to index
        %get3A_67 = tpu.vector_load %arg19[%get3A] {strides = array<i32>} : memref<1024xf32, #tpu.memory_space<vmem>>, vector<16xf32>,
        %get3A_68 = arith.index_cast %mul3A_66 : i32 to index
        %get3A_69 = tpu.vector_load %arg20[%get3A_68] {strides = array<i32>} : memref<1024xf32, #tpu.memory_space<vmem>>, vector<16xf32>,
        %get3A_70 = arith.index_cast %mul3A_66 : i32 to index
        %get3A_71 = tpu.vector_load %arg21[%get3A_70] {strides = array<i32>} : memref<1024xf32, #tpu.memory_space<vmem>>, vector<16xf32>,
        %get3A_72 = arith.index_cast %mul3A_66 : i32 to index
        %get3A_73 = tpu.vector_load %arg22[%get3A_72] {strides = array<i32>} : memref<1024xf32, #tpu.memory_space<vmem>>, vector<16xf32>,
        %sub3A = arith.subf %get3A_71, %get3A_67 : vector<16xf32>
        %sub3A_74 = arith.subf %get3A_73, %get3A_69 : vector<16xf32>
        %mul3A_75 = arith.mulf %sub3A, %sub3A_74 : vector<16xf32>
        %broadcast_in_dim3A_76 = arith.constant -1.000000e+00 : f32
        %broadcast_in_dim3A_77 = vector.broadcast %broadcast_in_dim3A_76 : f32 to vector<16xf32>
        %broadcast_in_dim3A_78 = arith.constant 0 : i32
        %broadcast_in_dim3A_79 = vector.broadcast %broadcast_in_dim3A_78 : i32 to vector<16xi32>
        %scan3A_80 = arith.constant 0 : i32
        %scan3A_81 = arith.constant 128 : i32
        %scan3A_82 = arith.addi %scan3A_80, %scan3A_81 : i32
        %scan3A_83 = arith.constant 1 : i32
        %scan3A_84:2 = scf.for %scan3A_145 = %scan3A_80 to %scan3A_82 step %scan3A_83 iter_args(%scan3A_146 = %broadcast_in_dim3A_77, %scan3A_147 = %broadcast_in_dim3A_79) -> (vector<16xf32>, vector<16xi32>)  : i32 {
          %mul3A_148 = arith.constant 16 : i32
          %mul3A_149 = arith.muli %scan3A_145, %mul3A_148 : i32
          %get3A_150 = arith.index_cast %mul3A_149 : i32 to index
          %get3A_151 = tpu.vector_load %arg23[%get3A_150] {strides = array<i32>} : memref<2048xf32, #tpu.memory_space<vmem>>, vector<16xf32>,
          %get3A_152 = arith.index_cast %mul3A_149 : i32 to index
          %get3A_153 = tpu.vector_load %arg24[%get3A_152] {strides = array<i32>} : memref<2048xf32, #tpu.memory_space<vmem>>, vector<16xf32>,
          %get3A_154 = arith.index_cast %mul3A_149 : i32 to index
          %get3A_155 = tpu.vector_load %arg25[%get3A_154] {strides = array<i32>} : memref<2048xf32, #tpu.memory_space<vmem>>, vector<16xf32>,
          %get3A_156 = arith.index_cast %mul3A_149 : i32 to index
          %get3A_157 = tpu.vector_load %arg26[%get3A_156] {strides = array<i32>} : memref<2048xf32, #tpu.memory_space<vmem>>, vector<16xf32>,
          %get3A_158 = arith.index_cast %mul3A_149 : i32 to index
          %get3A_159 = tpu.vector_load %arg27[%get3A_158] {strides = array<i32>} : memref<2048xf32, #tpu.memory_space<vmem>>, vector<16xf32>,
          %min3A_160 = arith.minimumf %get3A_71, %get3A_155 : vector<16xf32>
          %max3A_161 = arith.maximumf %get3A_67, %get3A_151 : vector<16xf32>
          %sub3A_162 = arith.subf %min3A_160, %max3A_161 : vector<16xf32>
          %max3A_163 = arith.constant 0.000000e+00 : f32
          %max3A_164 = vector.broadcast %max3A_163 : f32 to vector<16xf32>
          %max3A_165 = arith.maximumf %sub3A_162, %max3A_164 : vector<16xf32>
          %min3A_166 = arith.minimumf %get3A_73, %get3A_157 : vector<16xf32>
          %max3A_167 = arith.maximumf %get3A_69, %get3A_153 : vector<16xf32>
          %sub3A_168 = arith.subf %min3A_166, %max3A_167 : vector<16xf32>
          %max3A_169 = arith.constant 0.000000e+00 : f32
          %max3A_170 = vector.broadcast %max3A_169 : f32 to vector<16xf32>
          %max3A_171 = arith.maximumf %sub3A_168, %max3A_170 : vector<16xf32>
          %mul3A_172 = arith.mulf %max3A_165, %max3A_171 : vector<16xf32>
          %add3A_173 = arith.addf %mul3A_75, %get3A_159 : vector<16xf32>
          %sub3A_174 = arith.subf %add3A_173, %mul3A_172 : vector<16xf32>
          %div3A = arith.divf %mul3A_172, %sub3A_174 : vector<16xf32>
          %gt3A_175 = arith.cmpf ogt, %div3A, %scan3A_146 : vector<16xf32>
          %select_n3A_176 = arith.select %gt3A_175, %div3A, %scan3A_146 : vector<16xi1>, vector<16xf32>
          %add3A_177 = vector.broadcast %mul3A_149 : i32 to vector<16xi32>
          %add3A_178 = arith.addi %iota3A, %add3A_177 : vector<16xi32>
          %select_n3A_179 = arith.select %gt3A_175, %add3A_178, %scan3A_147 : vector<16xi1>, vector<16xi32>
          scf.yield %select_n3A_176, %select_n3A_179 : vector<16xf32>, vector<16xi32>
        }
        %scan3A_85 = arith.constant 128 : i32
        %swap3A_86 = arith.constant 0 : index
        %swap3A_87 = tpu.vector_load %arg36[%swap3A_86] {strides = array<i32>} : memref<16xf32, #tpu.memory_space<vmem>>, vector<16xf32>,
        tpu.vector_store %arg36[%swap3A_86], %scan3A_84#0 {strides = array<i32>} : memref<16xf32, #tpu.memory_space<vmem>>, vector<16xf32>,
        %xor3A = arith.constant 8 : i32
        %xor3A_88 = vector.broadcast %xor3A : i32 to vector<16xi32>
        %xor3A_89 = arith.xori %iota3A, %xor3A_88 : vector<16xi32>
        %gather3A_90 = tpu.vector_load_idx %arg36[%xor3A_89] : memref<16xf32, #tpu.memory_space<vmem>>[vector<16xi32>], vector<16xf32>,
        %max3A = arith.maximumf %scan3A_84#0, %gather3A_90 : vector<16xf32>
        %swap3A_91 = arith.constant 0 : index
        %swap3A_92 = tpu.vector_load %arg36[%swap3A_91] {strides = array<i32>} : memref<16xf32, #tpu.memory_space<vmem>>, vector<16xf32>,
        tpu.vector_store %arg36[%swap3A_91], %max3A {strides = array<i32>} : memref<16xf32, #tpu.memory_space<vmem>>, vector<16xf32>,
        %xor3A_93 = arith.constant 4 : i32
        %xor3A_94 = vector.broadcast %xor3A_93 : i32 to vector<16xi32>
        %xor3A_95 = arith.xori %iota3A, %xor3A_94 : vector<16xi32>
        %gather3A_96 = tpu.vector_load_idx %arg36[%xor3A_95] : memref<16xf32, #tpu.memory_space<vmem>>[vector<16xi32>], vector<16xf32>,
        %max3A_97 = arith.maximumf %max3A, %gather3A_96 : vector<16xf32>
        %swap3A_98 = arith.constant 0 : index
        %swap3A_99 = tpu.vector_load %arg36[%swap3A_98] {strides = array<i32>} : memref<16xf32, #tpu.memory_space<vmem>>, vector<16xf32>,
        tpu.vector_store %arg36[%swap3A_98], %max3A_97 {strides = array<i32>} : memref<16xf32, #tpu.memory_space<vmem>>, vector<16xf32>,
        %xor3A_100 = arith.constant 2 : i32
        %xor3A_101 = vector.broadcast %xor3A_100 : i32 to vector<16xi32>
        %xor3A_102 = arith.xori %iota3A, %xor3A_101 : vector<16xi32>
        %gather3A_103 = tpu.vector_load_idx %arg36[%xor3A_102] : memref<16xf32, #tpu.memory_space<vmem>>[vector<16xi32>], vector<16xf32>,
        %max3A_104 = arith.maximumf %max3A_97, %gather3A_103 : vector<16xf32>
        %swap3A_105 = arith.constant 0 : index
        %swap3A_106 = tpu.vector_load %arg36[%swap3A_105] {strides = array<i32>} : memref<16xf32, #tpu.memory_space<vmem>>, vector<16xf32>,
        tpu.vector_store %arg36[%swap3A_105], %max3A_104 {strides = array<i32>} : memref<16xf32, #tpu.memory_space<vmem>>, vector<16xf32>,
        %xor3A_107 = arith.constant 1 : i32
        %xor3A_108 = vector.broadcast %xor3A_107 : i32 to vector<16xi32>
        %xor3A_109 = arith.xori %iota3A, %xor3A_108 : vector<16xi32>
        %gather3A_110 = tpu.vector_load_idx %arg36[%xor3A_109] : memref<16xf32, #tpu.memory_space<vmem>>[vector<16xi32>], vector<16xf32>,
        %max3A_111 = arith.maximumf %max3A_104, %gather3A_110 : vector<16xf32>
        %eq3A = arith.cmpf oeq, %scan3A_84#0, %max3A_111 : vector<16xf32>
        %broadcast_in_dim3A_112 = arith.constant 4096 : i32
        %broadcast_in_dim3A_113 = vector.broadcast %broadcast_in_dim3A_112 : i32 to vector<16xi32>
        %select_n3A = arith.select %eq3A, %scan3A_84#1, %broadcast_in_dim3A_113 : vector<16xi1>, vector<16xi32>
        %swap3A_114 = arith.constant 0 : index
        %swap3A_115 = tpu.vector_load %arg37[%swap3A_114] {strides = array<i32>} : memref<16xi32, #tpu.memory_space<vmem>>, vector<16xi32>,
        tpu.vector_store %arg37[%swap3A_114], %select_n3A {strides = array<i32>} : memref<16xi32, #tpu.memory_space<vmem>>, vector<16xi32>,
        %xor3A_116 = arith.constant 8 : i32
        %xor3A_117 = vector.broadcast %xor3A_116 : i32 to vector<16xi32>
        %xor3A_118 = arith.xori %iota3A, %xor3A_117 : vector<16xi32>
        %gather3A_119 = tpu.vector_load_idx %arg37[%xor3A_118] : memref<16xi32, #tpu.memory_space<vmem>>[vector<16xi32>], vector<16xi32>,
        %min3A = arith.minsi %select_n3A, %gather3A_119 : vector<16xi32>
        %swap3A_120 = arith.constant 0 : index
        %swap3A_121 = tpu.vector_load %arg37[%swap3A_120] {strides = array<i32>} : memref<16xi32, #tpu.memory_space<vmem>>, vector<16xi32>,
        tpu.vector_store %arg37[%swap3A_120], %min3A {strides = array<i32>} : memref<16xi32, #tpu.memory_space<vmem>>, vector<16xi32>,
        %xor3A_122 = arith.constant 4 : i32
        %xor3A_123 = vector.broadcast %xor3A_122 : i32 to vector<16xi32>
        %xor3A_124 = arith.xori %iota3A, %xor3A_123 : vector<16xi32>
        %gather3A_125 = tpu.vector_load_idx %arg37[%xor3A_124] : memref<16xi32, #tpu.memory_space<vmem>>[vector<16xi32>], vector<16xi32>,
        %min3A_126 = arith.minsi %min3A, %gather3A_125 : vector<16xi32>
        %swap3A_127 = arith.constant 0 : index
        %swap3A_128 = tpu.vector_load %arg37[%swap3A_127] {strides = array<i32>} : memref<16xi32, #tpu.memory_space<vmem>>, vector<16xi32>,
        tpu.vector_store %arg37[%swap3A_127], %min3A_126 {strides = array<i32>} : memref<16xi32, #tpu.memory_space<vmem>>, vector<16xi32>,
        %xor3A_129 = arith.constant 2 : i32
        %xor3A_130 = vector.broadcast %xor3A_129 : i32 to vector<16xi32>
        %xor3A_131 = arith.xori %iota3A, %xor3A_130 : vector<16xi32>
        %gather3A_132 = tpu.vector_load_idx %arg37[%xor3A_131] : memref<16xi32, #tpu.memory_space<vmem>>[vector<16xi32>], vector<16xi32>,
        %min3A_133 = arith.minsi %min3A_126, %gather3A_132 : vector<16xi32>
        %swap3A_134 = arith.constant 0 : index
        %swap3A_135 = tpu.vector_load %arg37[%swap3A_134] {strides = array<i32>} : memref<16xi32, #tpu.memory_space<vmem>>, vector<16xi32>,
        tpu.vector_store %arg37[%swap3A_134], %min3A_133 {strides = array<i32>} : memref<16xi32, #tpu.memory_space<vmem>>, vector<16xi32>,
        %xor3A_136 = arith.constant 1 : i32
        %xor3A_137 = vector.broadcast %xor3A_136 : i32 to vector<16xi32>
        %xor3A_138 = arith.xori %iota3A, %xor3A_137 : vector<16xi32>
        %gather3A_139 = tpu.vector_load_idx %arg37[%xor3A_138] : memref<16xi32, #tpu.memory_space<vmem>>[vector<16xi32>], vector<16xi32>,
        %min3A_140 = arith.minsi %min3A_133, %gather3A_139 : vector<16xi32>
        %eq3A_141 = vector.broadcast %scan3A_59 : i32 to vector<16xi32>
        %eq3A_142 = arith.cmpi eq, %iota3A, %eq3A_141 : vector<16xi32>
        %select_n3A_143 = arith.select %eq3A_142, %max3A_111, %scan3A_60 : vector<16xi1>, vector<16xf32>
        %select_n3A_144 = arith.select %eq3A_142, %min3A_140, %scan3A_61 : vector<16xi1>, vector<16xi32>
        scf.yield %select_n3A_143, %select_n3A_144 : vector<16xf32>, vector<16xi32>
      }
      %scan3A_36 = arith.constant 16 : i32
      %gather3A = tpu.vector_load_idx %arg23[%scan3A_35#1] : memref<2048xf32, #tpu.memory_space<vmem>>[vector<16xi32>], vector<16xf32>,
      %gather3A_37 = tpu.vector_load_idx %arg24[%scan3A_35#1] : memref<2048xf32, #tpu.memory_space<vmem>>[vector<16xi32>], vector<16xf32>,
      %gather3A_38 = tpu.vector_load_idx %arg25[%scan3A_35#1] : memref<2048xf32, #tpu.memory_space<vmem>>[vector<16xi32>], vector<16xf32>,
      %gather3A_39 = tpu.vector_load_idx %arg26[%scan3A_35#1] : memref<2048xf32, #tpu.memory_space<vmem>>[vector<16xi32>], vector<16xf32>,
      %gather3A_40 = tpu.vector_load_idx %arg28[%scan3A_35#1] : memref<2048xf32, #tpu.memory_space<vmem>>[vector<16xi32>], vector<16xf32>,
      %broadcast_in_dim3A_41 = arith.constant 1.000000e+00 : f32
      %broadcast_in_dim3A_42 = vector.broadcast %broadcast_in_dim3A_41 : f32 to vector<16xf32>
      %gt3A = arith.constant 4.500000e-01 : f32
      %gt3A_43 = vector.broadcast %gt3A : f32 to vector<16xf32>
      %gt3A_44 = arith.cmpf ogt, %scan3A_35#0, %gt3A_43 : vector<16xf32>
      tpu.vector_store_idx %arg35[%scan3A_35#1], %broadcast_in_dim3A_42 masked %gt3A_44 : memref<2048xf32, #tpu.memory_space<vmem>>[vector<16xi32>], vector<16xf32>, vector<16xi1>
      %mul3A_45 = arith.constant 16 : i32
      %mul3A_46 = arith.muli %scan3A_27, %mul3A_45 : i32
      %swap3A = arith.index_cast %mul3A_46 : i32 to index
      %swap3A_47 = tpu.vector_load %arg29[%swap3A] {strides = array<i32>} : memref<64xf32, #tpu.memory_space<vmem>>, vector<16xf32>,
      tpu.vector_store %arg29[%swap3A], %scan3A_35#0 {strides = array<i32>} : memref<64xf32, #tpu.memory_space<vmem>>, vector<16xf32>,
      %swap3A_48 = arith.index_cast %mul3A_46 : i32 to index
      %swap3A_49 = tpu.vector_load %arg30[%swap3A_48] {strides = array<i32>} : memref<64xf32, #tpu.memory_space<vmem>>, vector<16xf32>,
      tpu.vector_store %arg30[%swap3A_48], %gather3A {strides = array<i32>} : memref<64xf32, #tpu.memory_space<vmem>>, vector<16xf32>,
      %swap3A_50 = arith.index_cast %mul3A_46 : i32 to index
      %swap3A_51 = tpu.vector_load %arg31[%swap3A_50] {strides = array<i32>} : memref<64xf32, #tpu.memory_space<vmem>>, vector<16xf32>,
      tpu.vector_store %arg31[%swap3A_50], %gather3A_37 {strides = array<i32>} : memref<64xf32, #tpu.memory_space<vmem>>, vector<16xf32>,
      %swap3A_52 = arith.index_cast %mul3A_46 : i32 to index
      %swap3A_53 = tpu.vector_load %arg32[%swap3A_52] {strides = array<i32>} : memref<64xf32, #tpu.memory_space<vmem>>, vector<16xf32>,
      tpu.vector_store %arg32[%swap3A_52], %gather3A_38 {strides = array<i32>} : memref<64xf32, #tpu.memory_space<vmem>>, vector<16xf32>,
      %swap3A_54 = arith.index_cast %mul3A_46 : i32 to index
      %swap3A_55 = tpu.vector_load %arg33[%swap3A_54] {strides = array<i32>} : memref<64xf32, #tpu.memory_space<vmem>>, vector<16xf32>,
      tpu.vector_store %arg33[%swap3A_54], %gather3A_39 {strides = array<i32>} : memref<64xf32, #tpu.memory_space<vmem>>, vector<16xf32>,
      %swap3A_56 = arith.index_cast %mul3A_46 : i32 to index
      %swap3A_57 = tpu.vector_load %arg34[%swap3A_56] {strides = array<i32>} : memref<64xf32, #tpu.memory_space<vmem>>, vector<16xf32>,
      tpu.vector_store %arg34[%swap3A_56], %gather3A_40 {strides = array<i32>} : memref<64xf32, #tpu.memory_space<vmem>>, vector<16xf32>,
      %scan3A_58 = arith.constant 0 : i32
      scf.yield %scan3A_58 : i32
    }
    %scan3A_24 = arith.constant 4 : i32
    "tpu.region"() ({
      %run_scoped3A = tpu.sem_alloc : memref<!tpu.dma_semaphore, #tpu.memory_space<semaphore_mem>>
      %dma_start3A = tpu.memref_slice %arg12[%mul3A_2] : memref<2048xf32, #tpu.memory_space<hbm>> -> memref<64xf32, #tpu.memory_space<hbm>>
      %dma_start3A_27 = tpu.memref_slice %arg12[%mul3A_2] : memref<2048xf32, #tpu.memory_space<hbm>> -> memref<64xf32, #tpu.memory_space<hbm>>
      tpu.enqueue_dma source(%arg29 : memref<64xf32, #tpu.memory_space<vmem>>) target(%dma_start3A_27 : memref<64xf32, #tpu.memory_space<hbm>>) target_semaphore(%run_scoped3A : memref<!tpu.dma_semaphore, #tpu.memory_space<semaphore_mem>>)
      %dma_wait3A = tpu.memref_slice %arg12[%mul3A_2] : memref<2048xf32, #tpu.memory_space<hbm>> -> memref<64xf32, #tpu.memory_space<hbm>>
      %dma_wait3A_28 = tpu.memref_slice %arg12[%mul3A_2] : memref<2048xf32, #tpu.memory_space<hbm>> -> memref<64xf32, #tpu.memory_space<hbm>>
      tpu.wait_dma2 semaphore(%run_scoped3A : memref<!tpu.dma_semaphore, #tpu.memory_space<semaphore_mem>>) src(%arg29 : memref<64xf32, #tpu.memory_space<vmem>>) dst(%dma_wait3A_28 : memref<64xf32, #tpu.memory_space<hbm>>)
      tpu.yield
    }) : () -> ()
    "tpu.region"() ({
      %run_scoped3A = tpu.sem_alloc : memref<!tpu.dma_semaphore, #tpu.memory_space<semaphore_mem>>
      %dma_start3A = tpu.memref_slice %arg13[%mul3A_2] : memref<2048xf32, #tpu.memory_space<hbm>> -> memref<64xf32, #tpu.memory_space<hbm>>
      %dma_start3A_27 = tpu.memref_slice %arg13[%mul3A_2] : memref<2048xf32, #tpu.memory_space<hbm>> -> memref<64xf32, #tpu.memory_space<hbm>>
      tpu.enqueue_dma source(%arg30 : memref<64xf32, #tpu.memory_space<vmem>>) target(%dma_start3A_27 : memref<64xf32, #tpu.memory_space<hbm>>) target_semaphore(%run_scoped3A : memref<!tpu.dma_semaphore, #tpu.memory_space<semaphore_mem>>)
      %dma_wait3A = tpu.memref_slice %arg13[%mul3A_2] : memref<2048xf32, #tpu.memory_space<hbm>> -> memref<64xf32, #tpu.memory_space<hbm>>
      %dma_wait3A_28 = tpu.memref_slice %arg13[%mul3A_2] : memref<2048xf32, #tpu.memory_space<hbm>> -> memref<64xf32, #tpu.memory_space<hbm>>
      tpu.wait_dma2 semaphore(%run_scoped3A : memref<!tpu.dma_semaphore, #tpu.memory_space<semaphore_mem>>) src(%arg30 : memref<64xf32, #tpu.memory_space<vmem>>) dst(%dma_wait3A_28 : memref<64xf32, #tpu.memory_space<hbm>>)
      tpu.yield
    }) : () -> ()
    "tpu.region"() ({
      %run_scoped3A = tpu.sem_alloc : memref<!tpu.dma_semaphore, #tpu.memory_space<semaphore_mem>>
      %dma_start3A = tpu.memref_slice %arg14[%mul3A_2] : memref<2048xf32, #tpu.memory_space<hbm>> -> memref<64xf32, #tpu.memory_space<hbm>>
      %dma_start3A_27 = tpu.memref_slice %arg14[%mul3A_2] : memref<2048xf32, #tpu.memory_space<hbm>> -> memref<64xf32, #tpu.memory_space<hbm>>
      tpu.enqueue_dma source(%arg31 : memref<64xf32, #tpu.memory_space<vmem>>) target(%dma_start3A_27 : memref<64xf32, #tpu.memory_space<hbm>>) target_semaphore(%run_scoped3A : memref<!tpu.dma_semaphore, #tpu.memory_space<semaphore_mem>>)
      %dma_wait3A = tpu.memref_slice %arg14[%mul3A_2] : memref<2048xf32, #tpu.memory_space<hbm>> -> memref<64xf32, #tpu.memory_space<hbm>>
      %dma_wait3A_28 = tpu.memref_slice %arg14[%mul3A_2] : memref<2048xf32, #tpu.memory_space<hbm>> -> memref<64xf32, #tpu.memory_space<hbm>>
      tpu.wait_dma2 semaphore(%run_scoped3A : memref<!tpu.dma_semaphore, #tpu.memory_space<semaphore_mem>>) src(%arg31 : memref<64xf32, #tpu.memory_space<vmem>>) dst(%dma_wait3A_28 : memref<64xf32, #tpu.memory_space<hbm>>)
      tpu.yield
    }) : () -> ()
    "tpu.region"() ({
      %run_scoped3A = tpu.sem_alloc : memref<!tpu.dma_semaphore, #tpu.memory_space<semaphore_mem>>
      %dma_start3A = tpu.memref_slice %arg15[%mul3A_2] : memref<2048xf32, #tpu.memory_space<hbm>> -> memref<64xf32, #tpu.memory_space<hbm>>
      %dma_start3A_27 = tpu.memref_slice %arg15[%mul3A_2] : memref<2048xf32, #tpu.memory_space<hbm>> -> memref<64xf32, #tpu.memory_space<hbm>>
      tpu.enqueue_dma source(%arg32 : memref<64xf32, #tpu.memory_space<vmem>>) target(%dma_start3A_27 : memref<64xf32, #tpu.memory_space<hbm>>) target_semaphore(%run_scoped3A : memref<!tpu.dma_semaphore, #tpu.memory_space<semaphore_mem>>)
      %dma_wait3A = tpu.memref_slice %arg15[%mul3A_2] : memref<2048xf32, #tpu.memory_space<hbm>> -> memref<64xf32, #tpu.memory_space<hbm>>
      %dma_wait3A_28 = tpu.memref_slice %arg15[%mul3A_2] : memref<2048xf32, #tpu.memory_space<hbm>> -> memref<64xf32, #tpu.memory_space<hbm>>
      tpu.wait_dma2 semaphore(%run_scoped3A : memref<!tpu.dma_semaphore, #tpu.memory_space<semaphore_mem>>) src(%arg32 : memref<64xf32, #tpu.memory_space<vmem>>) dst(%dma_wait3A_28 : memref<64xf32, #tpu.memory_space<hbm>>)
      tpu.yield
    }) : () -> ()
    "tpu.region"() ({
      %run_scoped3A = tpu.sem_alloc : memref<!tpu.dma_semaphore, #tpu.memory_space<semaphore_mem>>
      %dma_start3A = tpu.memref_slice %arg16[%mul3A_2] : memref<2048xf32, #tpu.memory_space<hbm>> -> memref<64xf32, #tpu.memory_space<hbm>>
      %dma_start3A_27 = tpu.memref_slice %arg16[%mul3A_2] : memref<2048xf32, #tpu.memory_space<hbm>> -> memref<64xf32, #tpu.memory_space<hbm>>
      tpu.enqueue_dma source(%arg33 : memref<64xf32, #tpu.memory_space<vmem>>) target(%dma_start3A_27 : memref<64xf32, #tpu.memory_space<hbm>>) target_semaphore(%run_scoped3A : memref<!tpu.dma_semaphore, #tpu.memory_space<semaphore_mem>>)
      %dma_wait3A = tpu.memref_slice %arg16[%mul3A_2] : memref<2048xf32, #tpu.memory_space<hbm>> -> memref<64xf32, #tpu.memory_space<hbm>>
      %dma_wait3A_28 = tpu.memref_slice %arg16[%mul3A_2] : memref<2048xf32, #tpu.memory_space<hbm>> -> memref<64xf32, #tpu.memory_space<hbm>>
      tpu.wait_dma2 semaphore(%run_scoped3A : memref<!tpu.dma_semaphore, #tpu.memory_space<semaphore_mem>>) src(%arg33 : memref<64xf32, #tpu.memory_space<vmem>>) dst(%dma_wait3A_28 : memref<64xf32, #tpu.memory_space<hbm>>)
      tpu.yield
    }) : () -> ()
    "tpu.region"() ({
      %run_scoped3A = tpu.sem_alloc : memref<!tpu.dma_semaphore, #tpu.memory_space<semaphore_mem>>
      %dma_start3A = tpu.memref_slice %arg17[%mul3A_2] : memref<2048xf32, #tpu.memory_space<hbm>> -> memref<64xf32, #tpu.memory_space<hbm>>
      %dma_start3A_27 = tpu.memref_slice %arg17[%mul3A_2] : memref<2048xf32, #tpu.memory_space<hbm>> -> memref<64xf32, #tpu.memory_space<hbm>>
      tpu.enqueue_dma source(%arg34 : memref<64xf32, #tpu.memory_space<vmem>>) target(%dma_start3A_27 : memref<64xf32, #tpu.memory_space<hbm>>) target_semaphore(%run_scoped3A : memref<!tpu.dma_semaphore, #tpu.memory_space<semaphore_mem>>)
      %dma_wait3A = tpu.memref_slice %arg17[%mul3A_2] : memref<2048xf32, #tpu.memory_space<hbm>> -> memref<64xf32, #tpu.memory_space<hbm>>
      %dma_wait3A_28 = tpu.memref_slice %arg17[%mul3A_2] : memref<2048xf32, #tpu.memory_space<hbm>> -> memref<64xf32, #tpu.memory_space<hbm>>
      tpu.wait_dma2 semaphore(%run_scoped3A : memref<!tpu.dma_semaphore, #tpu.memory_space<semaphore_mem>>) src(%arg34 : memref<64xf32, #tpu.memory_space<vmem>>) dst(%dma_wait3A_28 : memref<64xf32, #tpu.memory_space<hbm>>)
      tpu.yield
    }) : () -> ()
    %mul3A_25 = arith.constant 2048 : i32
    %mul3A_26 = arith.muli %add3A, %mul3A_25 : i32
    "tpu.region"() ({
      %run_scoped3A = tpu.sem_alloc : memref<!tpu.dma_semaphore, #tpu.memory_space<semaphore_mem>>
      %dma_start3A = tpu.memref_slice %arg18[%mul3A_26] : memref<65536xf32, #tpu.memory_space<hbm>> -> memref<2048xf32, #tpu.memory_space<hbm>>
      %dma_start3A_27 = tpu.memref_slice %arg18[%mul3A_26] : memref<65536xf32, #tpu.memory_space<hbm>> -> memref<2048xf32, #tpu.memory_space<hbm>>
      tpu.enqueue_dma source(%arg35 : memref<2048xf32, #tpu.memory_space<vmem>>) target(%dma_start3A_27 : memref<2048xf32, #tpu.memory_space<hbm>>) target_semaphore(%run_scoped3A : memref<!tpu.dma_semaphore, #tpu.memory_space<semaphore_mem>>)
      %dma_wait3A = tpu.memref_slice %arg18[%mul3A_26] : memref<65536xf32, #tpu.memory_space<hbm>> -> memref<2048xf32, #tpu.memory_space<hbm>>
      %dma_wait3A_28 = tpu.memref_slice %arg18[%mul3A_26] : memref<65536xf32, #tpu.memory_space<hbm>> -> memref<2048xf32, #tpu.memory_space<hbm>>
      tpu.wait_dma2 semaphore(%run_scoped3A : memref<!tpu.dma_semaphore, #tpu.memory_space<semaphore_mem>>) src(%arg35 : memref<2048xf32, #tpu.memory_space<vmem>>) dst(%dma_wait3A_28 : memref<2048xf32, #tpu.memory_space<hbm>>)
      tpu.yield
    }) : () -> ()
    return
  }
}

module attributes {stable_mosaic.version = 14 : i64} {
  func.func @_tc_body(%arg0: i32, %arg1: memref<1024x8xf32, #tpu.memory_space<vmem>>, %arg2: memref<8x2048xf32, #tpu.memory_space<vmem>>, %arg3: memref<2048x8xf32, #tpu.memory_space<vmem>>, %arg4: memref<8x128xf32, #tpu.memory_space<vmem>>, %arg5: memref<8x2048xf32, #tpu.memory_space<vmem>>, %arg6: memref<8xf32, #tpu.memory_space<smem>>) attributes {dimension_semantics = [#tpu.dimension_semantics<arbitrary>], iteration_bounds = array<i64: 3>, scalar_prefetch = 0 : i64, scratch_operands = 1 : i64, tpu.core_type = #tpu.core_type<tc>, window_params = [{transform_indices = @transform_0, window_bounds = array<i64: 1024, 8>}, {pipeline_mode = #tpu.pipeline_mode<synchronous>, transform_indices = @transform_1, window_bounds = array<i64: 8, 2048>}, {pipeline_mode = #tpu.pipeline_mode<synchronous>, transform_indices = @transform_2, window_bounds = array<i64: 2048, 8>}, {pipeline_mode = #tpu.pipeline_mode<synchronous>, transform_indices = @transform_3, window_bounds = array<i64: 8, 128>}, {pipeline_mode = #tpu.pipeline_mode<synchronous>, transform_indices = @transform_4, window_bounds = array<i64: 8, 2048>}]} {
    %eq3A = arith.constant 0 : i32
    %eq3A_0 = arith.cmpi eq, %arg0, %eq3A : i32
    %convert_element_type3A = arith.extui %eq3A_0 : i1 to i32
    %cond3A = arith.constant 0 : i32
    %cond3A_1 = arith.cmpi ne, %convert_element_type3A, %cond3A : i32
    scf.if %cond3A_1 {
      %broadcast_in_dim3A_289 = arith.constant 0.000000e+00 : f32
      %broadcast_in_dim3A_290 = vector.broadcast %broadcast_in_dim3A_289 : f32 to vector<1x2048xf32>
      %swap3A_291 = arith.constant 0 : index
      %swap3A_292 = arith.constant 0 : index
      %swap3A_293 = vector.load %arg5[%swap3A_291, %swap3A_292] : memref<8x2048xf32, #tpu.memory_space<vmem>>, vector<1x2048xf32>
      tpu.vector_store %arg5[%swap3A_291, %swap3A_292], %broadcast_in_dim3A_290 {strides = array<i32>} : memref<8x2048xf32, #tpu.memory_space<vmem>>, vector<1x2048xf32>,
      %swap3A_294 = arith.constant 0.000000e+00 : f32
      %swap3A_295 = arith.constant 0 : index
      %swap3A_296 = memref.load %arg6[%swap3A_295] : memref<8xf32, #tpu.memory_space<smem>>
      memref.store %swap3A_294, %arg6[%swap3A_295] : memref<8xf32, #tpu.memory_space<smem>>
      %swap3A_297 = arith.constant 0.000000e+00 : f32
      %swap3A_298 = arith.constant 1 : index
      %swap3A_299 = memref.load %arg6[%swap3A_298] : memref<8xf32, #tpu.memory_space<smem>>
      memref.store %swap3A_297, %arg6[%swap3A_298] : memref<8xf32, #tpu.memory_space<smem>>
      %swap3A_300 = arith.constant 0.000000e+00 : f32
      %swap3A_301 = arith.constant 2 : index
      %swap3A_302 = memref.load %arg6[%swap3A_301] : memref<8xf32, #tpu.memory_space<smem>>
      memref.store %swap3A_300, %arg6[%swap3A_301] : memref<8xf32, #tpu.memory_space<smem>>
      %swap3A_303 = arith.constant 0.000000e+00 : f32
      %swap3A_304 = arith.constant 3 : index
      %swap3A_305 = memref.load %arg6[%swap3A_304] : memref<8xf32, #tpu.memory_space<smem>>
      memref.store %swap3A_303, %arg6[%swap3A_304] : memref<8xf32, #tpu.memory_space<smem>>
    } else {
    }
    %get3A = arith.constant 0 : index
    %get3A_2 = arith.constant 0 : index
    %get3A_3 = vector.load %arg1[%get3A, %get3A_2] : memref<1024x8xf32, #tpu.memory_space<vmem>>, vector<1024x8xf32>
    %slice3A = vector.extract_strided_slice %get3A_3 {offsets = [0, 0], sizes = [1024, 1], strides = [1, 1]} : vector<1024x8xf32> to vector<1024x1xf32>
    %slice3A_4 = vector.extract_strided_slice %get3A_3 {offsets = [0, 1], sizes = [1024, 1], strides = [1, 1]} : vector<1024x8xf32> to vector<1024x1xf32>
    %slice3A_5 = vector.extract_strided_slice %get3A_3 {offsets = [0, 2], sizes = [1024, 1], strides = [1, 1]} : vector<1024x8xf32> to vector<1024x1xf32>
    %slice3A_6 = vector.extract_strided_slice %get3A_3 {offsets = [0, 3], sizes = [1024, 1], strides = [1, 1]} : vector<1024x8xf32> to vector<1024x1xf32>
    %slice3A_7 = vector.extract_strided_slice %get3A_3 {offsets = [0, 4], sizes = [1024, 1], strides = [1, 1]} : vector<1024x8xf32> to vector<1024x1xf32>
    %slice3A_8 = vector.extract_strided_slice %get3A_3 {offsets = [0, 5], sizes = [1024, 1], strides = [1, 1]} : vector<1024x8xf32> to vector<1024x1xf32>
    %get3A_9 = arith.constant 0 : index
    %get3A_10 = arith.constant 0 : index
    %get3A_11 = vector.load %arg2[%get3A_9, %get3A_10] : memref<8x2048xf32, #tpu.memory_space<vmem>>, vector<8x2048xf32>
    %slice3A_12 = vector.extract_strided_slice %get3A_11 {offsets = [0, 0], sizes = [1, 2048], strides = [1, 1]} : vector<8x2048xf32> to vector<1x2048xf32>
    %slice3A_13 = vector.extract_strided_slice %get3A_11 {offsets = [1, 0], sizes = [1, 2048], strides = [1, 1]} : vector<8x2048xf32> to vector<1x2048xf32>
    %slice3A_14 = vector.extract_strided_slice %get3A_11 {offsets = [2, 0], sizes = [1, 2048], strides = [1, 1]} : vector<8x2048xf32> to vector<1x2048xf32>
    %slice3A_15 = vector.extract_strided_slice %get3A_11 {offsets = [3, 0], sizes = [1, 2048], strides = [1, 1]} : vector<8x2048xf32> to vector<1x2048xf32>
    %slice3A_16 = vector.extract_strided_slice %get3A_11 {offsets = [5, 0], sizes = [1, 2048], strides = [1, 1]} : vector<8x2048xf32> to vector<1x2048xf32>
    %iota3A = tpu.iota {dimensions = array<i32: 1>} : vector<1x2048xi32>
    %convert_element_type3A_17 = arith.sitofp %iota3A : vector<1x2048xi32> to vector<1x2048xf32>
    %sub3A = arith.subf %slice3A_5, %slice3A : vector<1024x1xf32>
    %sub3A_18 = arith.subf %slice3A_6, %slice3A_4 : vector<1024x1xf32>
    %mul3A = arith.mulf %sub3A, %sub3A_18 : vector<1024x1xf32>
    %min3A = vector.broadcast %slice3A_5 : vector<1024x1xf32> to vector<1024x2048xf32>
    %min3A_19 = vector.broadcast %slice3A_14 : vector<1x2048xf32> to vector<1024x2048xf32>
    %min3A_20 = arith.minimumf %min3A, %min3A_19 : vector<1024x2048xf32>
    %max3A = vector.broadcast %slice3A : vector<1024x1xf32> to vector<1024x2048xf32>
    %max3A_21 = vector.broadcast %slice3A_12 : vector<1x2048xf32> to vector<1024x2048xf32>
    %max3A_22 = arith.maximumf %max3A, %max3A_21 : vector<1024x2048xf32>
    %sub3A_23 = arith.subf %min3A_20, %max3A_22 : vector<1024x2048xf32>
    %max3A_24 = arith.constant 0.000000e+00 : f32
    %max3A_25 = vector.broadcast %max3A_24 : f32 to vector<1024x2048xf32>
    %max3A_26 = arith.maximumf %sub3A_23, %max3A_25 : vector<1024x2048xf32>
    %min3A_27 = vector.broadcast %slice3A_6 : vector<1024x1xf32> to vector<1024x2048xf32>
    %min3A_28 = vector.broadcast %slice3A_15 : vector<1x2048xf32> to vector<1024x2048xf32>
    %min3A_29 = arith.minimumf %min3A_27, %min3A_28 : vector<1024x2048xf32>
    %max3A_30 = vector.broadcast %slice3A_4 : vector<1024x1xf32> to vector<1024x2048xf32>
    %max3A_31 = vector.broadcast %slice3A_13 : vector<1x2048xf32> to vector<1024x2048xf32>
    %max3A_32 = arith.maximumf %max3A_30, %max3A_31 : vector<1024x2048xf32>
    %sub3A_33 = arith.subf %min3A_29, %max3A_32 : vector<1024x2048xf32>
    %max3A_34 = arith.constant 0.000000e+00 : f32
    %max3A_35 = vector.broadcast %max3A_34 : f32 to vector<1024x2048xf32>
    %max3A_36 = arith.maximumf %sub3A_33, %max3A_35 : vector<1024x2048xf32>
    %mul3A_37 = arith.mulf %max3A_26, %max3A_36 : vector<1024x2048xf32>
    %add3A = vector.broadcast %mul3A : vector<1024x1xf32> to vector<1024x2048xf32>
    %add3A_38 = vector.broadcast %slice3A_16 : vector<1x2048xf32> to vector<1024x2048xf32>
    %add3A_39 = arith.addf %add3A, %add3A_38 : vector<1024x2048xf32>
    %sub3A_40 = arith.subf %add3A_39, %mul3A_37 : vector<1024x2048xf32>
    %div3A = arith.divf %mul3A_37, %sub3A_40 : vector<1024x2048xf32>
    %reduce_max3A = arith.constant dense<0xFF800000> : vector<1024xf32>
    %reduce_max3A_41 = vector.multi_reduction <maximumf>, %div3A, %reduce_max3A [1] : vector<1024x2048xf32> to vector<1024xf32>
    %broadcast_in_dim3A = vector.shape_cast %reduce_max3A_41 : vector<1024xf32> to vector<1024x1xf32>
    %eq3A_42 = vector.broadcast %broadcast_in_dim3A : vector<1024x1xf32> to vector<1024x2048xf32>
    %eq3A_43 = arith.cmpf oeq, %div3A, %eq3A_42 : vector<1024x2048xf32>
    %jit3A = arith.constant 4.096000e+03 : f32
    %broadcast_in_dim3A_44 = vector.shape_cast %convert_element_type3A_17 : vector<1x2048xf32> to vector<1x2048xf32>
    %broadcast_in_dim3A_45 = vector.broadcast %broadcast_in_dim3A_44 : vector<1x2048xf32> to vector<1024x2048xf32>
    %broadcast_in_dim3A_46 = vector.broadcast %jit3A : f32 to vector<1024x2048xf32>
    %select_n3A = arith.select %eq3A_43, %broadcast_in_dim3A_45, %broadcast_in_dim3A_46 : vector<1024x2048xi1>, vector<1024x2048xf32>
    %reduce_min3A = arith.constant dense<0x7F800000> : vector<1024xf32>
    %reduce_min3A_47 = vector.multi_reduction <minimumf>, %select_n3A, %reduce_min3A [1] : vector<1024x2048xf32> to vector<1024xf32>
    %broadcast_in_dim3A_48 = vector.shape_cast %reduce_min3A_47 : vector<1024xf32> to vector<1024x1xf32>
    %eq3A_49 = vector.broadcast %convert_element_type3A_17 : vector<1x2048xf32> to vector<1024x2048xf32>
    %eq3A_50 = vector.broadcast %broadcast_in_dim3A_48 : vector<1024x1xf32> to vector<1024x2048xf32>
    %eq3A_51 = arith.cmpf oeq, %eq3A_49, %eq3A_50 : vector<1024x2048xf32>
    %convert_element_type3A_52 = arith.extui %eq3A_51 : vector<1024x2048xi1> to vector<1024x2048xi32>
    %convert_element_type3A_53 = arith.sitofp %convert_element_type3A_52 : vector<1024x2048xi32> to vector<1024x2048xf32>
    %gt3A = arith.constant 4.500000e-01 : f32
    %gt3A_54 = vector.broadcast %gt3A : f32 to vector<1024x1xf32>
    %gt3A_55 = arith.cmpf ogt, %broadcast_in_dim3A, %gt3A_54 : vector<1024x1xf32>
    %convert_element_type3A_56 = arith.extui %gt3A_55 : vector<1024x1xi1> to vector<1024x1xi32>
    %convert_element_type3A_57 = arith.sitofp %convert_element_type3A_56 : vector<1024x1xi32> to vector<1024x1xf32>
    %get3A_58 = arith.constant 0 : index
    %get3A_59 = arith.constant 0 : index
    %get3A_60 = vector.load %arg3[%get3A_58, %get3A_59] : memref<2048x8xf32, #tpu.memory_space<vmem>>, vector<2048x8xf32>
    %dot_general3A = arith.constant dense<0.000000e+00> : vector<1024x8xf32>
    %dot_general3A_61 = tpu.matmul %convert_element_type3A_53, %get3A_60, %dot_general3A {dimension_numbers = #tpu.dot_dimension_numbers<[1], [0], [0], [1], [0, 0, 1, 1], [], []>, transpose_lhs_hint = false} : vector<1024x2048xf32>, vector<2048x8xf32>, vector<1024x8xf32> -> vector<1024x8xf32>
    %slice3A_62 = vector.extract_strided_slice %dot_general3A_61 {offsets = [0, 0], sizes = [1024, 1], strides = [1, 1]} : vector<1024x8xf32> to vector<1024x1xf32>
    %slice3A_63 = vector.extract_strided_slice %dot_general3A_61 {offsets = [0, 1], sizes = [1024, 1], strides = [1, 1]} : vector<1024x8xf32> to vector<1024x1xf32>
    %slice3A_64 = vector.extract_strided_slice %dot_general3A_61 {offsets = [0, 2], sizes = [1024, 1], strides = [1, 1]} : vector<1024x8xf32> to vector<1024x1xf32>
    %slice3A_65 = vector.extract_strided_slice %dot_general3A_61 {offsets = [0, 3], sizes = [1024, 1], strides = [1, 1]} : vector<1024x8xf32> to vector<1024x1xf32>
    %slice3A_66 = vector.extract_strided_slice %dot_general3A_61 {offsets = [0, 4], sizes = [1024, 1], strides = [1, 1]} : vector<1024x8xf32> to vector<1024x1xf32>
    %gt3A_67 = arith.constant 0.000000e+00 : f32
    %gt3A_68 = vector.broadcast %gt3A_67 : f32 to vector<1024x1xf32>
    %gt3A_69 = arith.cmpf ogt, %slice3A_7, %gt3A_68 : vector<1024x1xf32>
    %jit3A_70 = arith.constant 1.000000e+00 : f32
    %broadcast_in_dim3A_71 = vector.broadcast %jit3A_70 : f32 to vector<1024x1xf32>
    %select_n3A_72 = arith.select %gt3A_69, %slice3A_7, %broadcast_in_dim3A_71 : vector<1024x1xi1>, vector<1024x1xf32>
    %log3A = math.log %select_n3A_72 : vector<1024x1xf32>
    %jit3A_73 = arith.constant -1.000000e+02 : f32
    %broadcast_in_dim3A_74 = vector.broadcast %jit3A_73 : f32 to vector<1024x1xf32>
    %select_n3A_75 = arith.select %gt3A_69, %log3A, %broadcast_in_dim3A_74 : vector<1024x1xi1>, vector<1024x1xf32>
    %neg3A = arith.constant 0.000000e+00 : f32
    %neg3A_76 = vector.broadcast %neg3A : f32 to vector<1024x1xf32>
    %neg3A_77 = arith.subf %neg3A_76, %slice3A_7 : vector<1024x1xf32>
    %log1p3A = math.log1p %neg3A_77 : vector<1024x1xf32>
    %max3A_78 = arith.constant -1.000000e+02 : f32
    %max3A_79 = vector.broadcast %max3A_78 : f32 to vector<1024x1xf32>
    %max3A_80 = arith.maximumf %log1p3A, %max3A_79 : vector<1024x1xf32>
    %eq3A_81 = arith.cmpf oeq, %slice3A_66, %slice3A_8 : vector<1024x1xf32>
    %neg3A_82 = arith.constant 0.000000e+00 : f32
    %neg3A_83 = vector.broadcast %neg3A_82 : f32 to vector<1024x1xf32>
    %neg3A_84 = arith.subf %neg3A_83, %select_n3A_75 : vector<1024x1xf32>
    %sub3A_85 = arith.constant 1.000000e+02 : f32
    %sub3A_86 = vector.broadcast %sub3A_85 : f32 to vector<1024x1xf32>
    %sub3A_87 = arith.subf %sub3A_86, %max3A_80 : vector<1024x1xf32>
    %select_n3A_88 = arith.select %eq3A_81, %neg3A_84, %sub3A_87 : vector<1024x1xi1>, vector<1024x1xf32>
    %jit3A_89 = arith.constant 0.000000e+00 : f32
    %broadcast_in_dim3A_90 = vector.broadcast %jit3A_89 : f32 to vector<1024x1xf32>
    %select_n3A_91 = arith.select %gt3A_55, %select_n3A_88, %broadcast_in_dim3A_90 : vector<1024x1xi1>, vector<1024x1xf32>
    %not3A = arith.constant dense<true> : vector<1024x1xi1>
    %not3A_92 = arith.xori %gt3A_55, %not3A : vector<1024x1xi1>
    %jit3A_93 = arith.constant 0.000000e+00 : f32
    %broadcast_in_dim3A_94 = vector.broadcast %jit3A_93 : f32 to vector<1024x1xf32>
    %select_n3A_95 = arith.select %not3A_92, %select_n3A_75, %broadcast_in_dim3A_94 : vector<1024x1xi1>, vector<1024x1xf32>
    %sub3A_96 = arith.subf %slice3A_5, %slice3A : vector<1024x1xf32>
    %sub3A_97 = arith.subf %slice3A_6, %slice3A_4 : vector<1024x1xf32>
    %add3A_98 = arith.constant 1.000000e-07 : f32
    %add3A_99 = vector.broadcast %add3A_98 : f32 to vector<1024x1xf32>
    %add3A_100 = arith.addf %sub3A_97, %add3A_99 : vector<1024x1xf32>
    %sub3A_101 = arith.subf %slice3A_64, %slice3A_62 : vector<1024x1xf32>
    %sub3A_102 = arith.subf %slice3A_65, %slice3A_63 : vector<1024x1xf32>
    %add3A_103 = arith.constant 1.000000e-07 : f32
    %add3A_104 = vector.broadcast %add3A_103 : f32 to vector<1024x1xf32>
    %add3A_105 = arith.addf %sub3A_102, %add3A_104 : vector<1024x1xf32>
    %min3A_106 = arith.minimumf %slice3A_5, %slice3A_64 : vector<1024x1xf32>
    %max3A_107 = arith.maximumf %slice3A, %slice3A_62 : vector<1024x1xf32>
    %sub3A_108 = arith.subf %min3A_106, %max3A_107 : vector<1024x1xf32>
    %max3A_109 = arith.constant 0.000000e+00 : f32
    %max3A_110 = vector.broadcast %max3A_109 : f32 to vector<1024x1xf32>
    %max3A_111 = arith.maximumf %sub3A_108, %max3A_110 : vector<1024x1xf32>
    %min3A_112 = arith.minimumf %slice3A_6, %slice3A_65 : vector<1024x1xf32>
    %max3A_113 = arith.maximumf %slice3A_4, %slice3A_63 : vector<1024x1xf32>
    %sub3A_114 = arith.subf %min3A_112, %max3A_113 : vector<1024x1xf32>
    %max3A_115 = arith.constant 0.000000e+00 : f32
    %max3A_116 = vector.broadcast %max3A_115 : f32 to vector<1024x1xf32>
    %max3A_117 = arith.maximumf %sub3A_114, %max3A_116 : vector<1024x1xf32>
    %mul3A_118 = arith.mulf %max3A_111, %max3A_117 : vector<1024x1xf32>
    %mul3A_119 = arith.mulf %sub3A_96, %add3A_100 : vector<1024x1xf32>
    %mul3A_120 = arith.mulf %sub3A_101, %add3A_105 : vector<1024x1xf32>
    %add3A_121 = arith.addf %mul3A_119, %mul3A_120 : vector<1024x1xf32>
    %sub3A_122 = arith.subf %add3A_121, %mul3A_118 : vector<1024x1xf32>
    %add3A_123 = arith.constant 1.000000e-07 : f32
    %add3A_124 = vector.broadcast %add3A_123 : f32 to vector<1024x1xf32>
    %add3A_125 = arith.addf %sub3A_122, %add3A_124 : vector<1024x1xf32>
    %div3A_126 = arith.divf %mul3A_118, %add3A_125 : vector<1024x1xf32>
    %max3A_127 = arith.maximumf %slice3A_5, %slice3A_64 : vector<1024x1xf32>
    %min3A_128 = arith.minimumf %slice3A, %slice3A_62 : vector<1024x1xf32>
    %sub3A_129 = arith.subf %max3A_127, %min3A_128 : vector<1024x1xf32>
    %max3A_130 = arith.maximumf %slice3A_6, %slice3A_65 : vector<1024x1xf32>
    %min3A_131 = arith.minimumf %slice3A_4, %slice3A_63 : vector<1024x1xf32>
    %sub3A_132 = arith.subf %max3A_130, %min3A_131 : vector<1024x1xf32>
    %mul3A_133 = arith.mulf %sub3A_129, %sub3A_129 : vector<1024x1xf32>
    %mul3A_134 = arith.mulf %sub3A_132, %sub3A_132 : vector<1024x1xf32>
    %add3A_135 = arith.addf %mul3A_133, %mul3A_134 : vector<1024x1xf32>
    %add3A_136 = arith.constant 1.000000e-07 : f32
    %add3A_137 = vector.broadcast %add3A_136 : f32 to vector<1024x1xf32>
    %add3A_138 = arith.addf %add3A_135, %add3A_137 : vector<1024x1xf32>
    %add3A_139 = arith.addf %slice3A_62, %slice3A_64 : vector<1024x1xf32>
    %sub3A_140 = arith.subf %add3A_139, %slice3A : vector<1024x1xf32>
    %sub3A_141 = arith.subf %sub3A_140, %slice3A_5 : vector<1024x1xf32>
    %integer_pow3A = arith.mulf %sub3A_141, %sub3A_141 : vector<1024x1xf32>
    %add3A_142 = arith.addf %slice3A_63, %slice3A_65 : vector<1024x1xf32>
    %sub3A_143 = arith.subf %add3A_142, %slice3A_4 : vector<1024x1xf32>
    %sub3A_144 = arith.subf %sub3A_143, %slice3A_6 : vector<1024x1xf32>
    %integer_pow3A_145 = arith.mulf %sub3A_144, %sub3A_144 : vector<1024x1xf32>
    %add3A_146 = arith.addf %integer_pow3A, %integer_pow3A_145 : vector<1024x1xf32>
    %div3A_147 = arith.constant 4.000000e+00 : f32
    %div3A_148 = vector.broadcast %div3A_147 : f32 to vector<1024x1xf32>
    %div3A_149 = arith.divf %add3A_146, %div3A_148 : vector<1024x1xf32>
    %mul3A_150 = arith.mulf %sub3A_101, %add3A_100 : vector<1024x1xf32>
    %mul3A_151 = arith.mulf %sub3A_96, %add3A_105 : vector<1024x1xf32>
    %sub3A_152 = arith.subf %mul3A_150, %mul3A_151 : vector<1024x1xf32>
    %mul3A_153 = arith.mulf %add3A_100, %add3A_105 : vector<1024x1xf32>
    %mul3A_154 = arith.mulf %sub3A_96, %sub3A_101 : vector<1024x1xf32>
    %add3A_155 = arith.addf %mul3A_153, %mul3A_154 : vector<1024x1xf32>
    %div3A_156 = arith.divf %sub3A_152, %add3A_155 : vector<1024x1xf32>
    %abs3A = math.absf %div3A_156 : vector<1024x1xf32>
    %gt3A_157 = arith.constant 2.41421366 : f32
    %gt3A_158 = vector.broadcast %gt3A_157 : f32 to vector<1024x1xf32>
    %gt3A_159 = arith.cmpf ogt, %abs3A, %gt3A_158 : vector<1024x1xf32>
    %gt3A_160 = arith.constant 0.414213568 : f32
    %gt3A_161 = vector.broadcast %gt3A_160 : f32 to vector<1024x1xf32>
    %gt3A_162 = arith.cmpf ogt, %abs3A, %gt3A_161 : vector<1024x1xf32>
    %max3A_163 = arith.constant 1.000000e-30 : f32
    %max3A_164 = vector.broadcast %max3A_163 : f32 to vector<1024x1xf32>
    %max3A_165 = arith.maximumf %abs3A, %max3A_164 : vector<1024x1xf32>
    %div3A_166 = arith.constant -1.000000e+00 : f32
    %div3A_167 = vector.broadcast %div3A_166 : f32 to vector<1024x1xf32>
    %div3A_168 = arith.divf %div3A_167, %max3A_165 : vector<1024x1xf32>
    %sub3A_169 = arith.constant 1.000000e+00 : f32
    %sub3A_170 = vector.broadcast %sub3A_169 : f32 to vector<1024x1xf32>
    %sub3A_171 = arith.subf %abs3A, %sub3A_170 : vector<1024x1xf32>
    %add3A_172 = arith.constant 1.000000e+00 : f32
    %add3A_173 = vector.broadcast %add3A_172 : f32 to vector<1024x1xf32>
    %add3A_174 = arith.addf %abs3A, %add3A_173 : vector<1024x1xf32>
    %div3A_175 = arith.divf %sub3A_171, %add3A_174 : vector<1024x1xf32>
    %select_n3A_176 = arith.select %gt3A_162, %div3A_175, %abs3A : vector<1024x1xi1>, vector<1024x1xf32>
    %select_n3A_177 = arith.select %gt3A_159, %div3A_168, %select_n3A_176 : vector<1024x1xi1>, vector<1024x1xf32>
    %jit3A_178 = arith.constant 0.785398185 : f32
    %jit3A_179 = arith.constant 0.000000e+00 : f32
    %broadcast_in_dim3A_180 = vector.broadcast %jit3A_178 : f32 to vector<1024x1xf32>
    %broadcast_in_dim3A_181 = vector.broadcast %jit3A_179 : f32 to vector<1024x1xf32>
    %select_n3A_182 = arith.select %gt3A_162, %broadcast_in_dim3A_180, %broadcast_in_dim3A_181 : vector<1024x1xi1>, vector<1024x1xf32>
    %jit3A_183 = arith.constant 1.57079637 : f32
    %broadcast_in_dim3A_184 = vector.broadcast %jit3A_183 : f32 to vector<1024x1xf32>
    %select_n3A_185 = arith.select %gt3A_159, %broadcast_in_dim3A_184, %select_n3A_182 : vector<1024x1xi1>, vector<1024x1xf32>
    %mul3A_186 = arith.mulf %select_n3A_177, %select_n3A_177 : vector<1024x1xf32>
    %mul3A_187 = arith.constant 0.0805374458 : f32
    %mul3A_188 = vector.broadcast %mul3A_187 : f32 to vector<1024x1xf32>
    %mul3A_189 = arith.mulf %mul3A_188, %mul3A_186 : vector<1024x1xf32>
    %sub3A_190 = arith.constant 0.138776854 : f32
    %sub3A_191 = vector.broadcast %sub3A_190 : f32 to vector<1024x1xf32>
    %sub3A_192 = arith.subf %mul3A_189, %sub3A_191 : vector<1024x1xf32>
    %mul3A_193 = arith.mulf %sub3A_192, %mul3A_186 : vector<1024x1xf32>
    %add3A_194 = arith.constant 0.199777111 : f32
    %add3A_195 = vector.broadcast %add3A_194 : f32 to vector<1024x1xf32>
    %add3A_196 = arith.addf %mul3A_193, %add3A_195 : vector<1024x1xf32>
    %mul3A_197 = arith.mulf %add3A_196, %mul3A_186 : vector<1024x1xf32>
    %sub3A_198 = arith.constant 0.333329499 : f32
    %sub3A_199 = vector.broadcast %sub3A_198 : f32 to vector<1024x1xf32>
    %sub3A_200 = arith.subf %mul3A_197, %sub3A_199 : vector<1024x1xf32>
    %mul3A_201 = arith.mulf %sub3A_200, %mul3A_186 : vector<1024x1xf32>
    %mul3A_202 = arith.mulf %mul3A_201, %select_n3A_177 : vector<1024x1xf32>
    %add3A_203 = arith.addf %mul3A_202, %select_n3A_177 : vector<1024x1xf32>
    %sign3A = tpu.bitcast %div3A_156 : vector<1024x1xf32> -> vector<1024x1xi32>
    %sign3A_204 = arith.constant -2147483648 : i32
    %sign3A_205 = vector.broadcast %sign3A_204 : i32 to vector<1024x1xi32>
    %sign3A_206 = arith.andi %sign3A, %sign3A_205 : vector<1024x1xi32>
    %sign3A_207 = arith.constant 1065353216 : i32
    %sign3A_208 = vector.broadcast %sign3A_207 : i32 to vector<1024x1xi32>
    %sign3A_209 = arith.ori %sign3A_208, %sign3A_206 : vector<1024x1xi32>
    %sign3A_210 = tpu.bitcast %sign3A_209 : vector<1024x1xi32> -> vector<1024x1xf32>
    %sign3A_211 = math.absf %div3A_156 : vector<1024x1xf32>
    %sign3A_212 = arith.constant 0.000000e+00 : f32
    %sign3A_213 = vector.broadcast %sign3A_212 : f32 to vector<1024x1xf32>
    %sign3A_214 = arith.cmpf ogt, %sign3A_211, %sign3A_213 : vector<1024x1xf32>
    %sign3A_215 = arith.select %sign3A_214, %sign3A_210, %div3A_156 : vector<1024x1xi1>, vector<1024x1xf32>
    %add3A_216 = arith.addf %select_n3A_185, %add3A_203 : vector<1024x1xf32>
    %mul3A_217 = arith.mulf %sign3A_215, %add3A_216 : vector<1024x1xf32>
    %integer_pow3A_218 = arith.mulf %mul3A_217, %mul3A_217 : vector<1024x1xf32>
    %mul3A_219 = arith.constant 0.405284733 : f32
    %mul3A_220 = vector.broadcast %mul3A_219 : f32 to vector<1024x1xf32>
    %mul3A_221 = arith.mulf %mul3A_220, %integer_pow3A_218 : vector<1024x1xf32>
    %sub3A_222 = arith.subf %mul3A_221, %div3A_126 : vector<1024x1xf32>
    %add3A_223 = arith.constant 1.00000012 : f32
    %add3A_224 = vector.broadcast %add3A_223 : f32 to vector<1024x1xf32>
    %add3A_225 = arith.addf %sub3A_222, %add3A_224 : vector<1024x1xf32>
    %div3A_226 = arith.divf %mul3A_221, %add3A_225 : vector<1024x1xf32>
    %div3A_227 = arith.divf %div3A_149, %add3A_138 : vector<1024x1xf32>
    %mul3A_228 = arith.mulf %mul3A_221, %div3A_226 : vector<1024x1xf32>
    %add3A_229 = arith.addf %div3A_227, %mul3A_228 : vector<1024x1xf32>
    %sub3A_230 = arith.subf %div3A_126, %add3A_229 : vector<1024x1xf32>
    %sub3A_231 = arith.constant 1.000000e+00 : f32
    %sub3A_232 = vector.broadcast %sub3A_231 : f32 to vector<1024x1xf32>
    %sub3A_233 = arith.subf %sub3A_232, %sub3A_230 : vector<1024x1xf32>
    %jit3A_234 = arith.constant 0.000000e+00 : f32
    %broadcast_in_dim3A_235 = vector.broadcast %jit3A_234 : f32 to vector<1024x1xf32>
    %select_n3A_236 = arith.select %gt3A_55, %sub3A_233, %broadcast_in_dim3A_235 : vector<1024x1xi1>, vector<1024x1xf32>
    %get3A_237 = arith.constant 0 : index
    %get3A_238 = memref.load %arg6[%get3A_237] : memref<8xf32, #tpu.memory_space<smem>>
    %reduce_sum3A = vector.shape_cast %convert_element_type3A_57 : vector<1024x1xf32> to vector<1x1024x1xf32>
    %reduce_sum3A_239 = arith.constant dense<0.000000e+00> : vector<1xf32>
    %reduce_sum3A_240 = vector.multi_reduction <add>, %reduce_sum3A, %reduce_sum3A_239 [1, 2] : vector<1x1024x1xf32> to vector<1xf32>
    %reduce_sum3A_241 = vector.shape_cast %reduce_sum3A_240 : vector<1xf32> to vector<1x1x1xf32>
    %reduce_sum3A_242 = vector.extract %reduce_sum3A_241[0, 0, 0] : f32 from vector<1x1x1xf32>
    %add3A_243 = arith.addf %get3A_238, %reduce_sum3A_242 : f32
    %swap3A = arith.constant 0 : index
    %swap3A_244 = memref.load %arg6[%swap3A] : memref<8xf32, #tpu.memory_space<smem>>
    memref.store %add3A_243, %arg6[%swap3A] : memref<8xf32, #tpu.memory_space<smem>>
    %get3A_245 = arith.constant 1 : index
    %get3A_246 = memref.load %arg6[%get3A_245] : memref<8xf32, #tpu.memory_space<smem>>
    %reduce_sum3A_247 = vector.shape_cast %select_n3A_91 : vector<1024x1xf32> to vector<1x1024x1xf32>
    %reduce_sum3A_248 = arith.constant dense<0.000000e+00> : vector<1xf32>
    %reduce_sum3A_249 = vector.multi_reduction <add>, %reduce_sum3A_247, %reduce_sum3A_248 [1, 2] : vector<1x1024x1xf32> to vector<1xf32>
    %reduce_sum3A_250 = vector.shape_cast %reduce_sum3A_249 : vector<1xf32> to vector<1x1x1xf32>
    %reduce_sum3A_251 = vector.extract %reduce_sum3A_250[0, 0, 0] : f32 from vector<1x1x1xf32>
    %add3A_252 = arith.addf %get3A_246, %reduce_sum3A_251 : f32
    %swap3A_253 = arith.constant 1 : index
    %swap3A_254 = memref.load %arg6[%swap3A_253] : memref<8xf32, #tpu.memory_space<smem>>
    memref.store %add3A_252, %arg6[%swap3A_253] : memref<8xf32, #tpu.memory_space<smem>>
    %get3A_255 = arith.constant 2 : index
    %get3A_256 = memref.load %arg6[%get3A_255] : memref<8xf32, #tpu.memory_space<smem>>
    %reduce_sum3A_257 = vector.shape_cast %select_n3A_95 : vector<1024x1xf32> to vector<1x1024x1xf32>
    %reduce_sum3A_258 = arith.constant dense<0.000000e+00> : vector<1xf32>
    %reduce_sum3A_259 = vector.multi_reduction <add>, %reduce_sum3A_257, %reduce_sum3A_258 [1, 2] : vector<1x1024x1xf32> to vector<1xf32>
    %reduce_sum3A_260 = vector.shape_cast %reduce_sum3A_259 : vector<1xf32> to vector<1x1x1xf32>
    %reduce_sum3A_261 = vector.extract %reduce_sum3A_260[0, 0, 0] : f32 from vector<1x1x1xf32>
    %add3A_262 = arith.addf %get3A_256, %reduce_sum3A_261 : f32
    %swap3A_263 = arith.constant 2 : index
    %swap3A_264 = memref.load %arg6[%swap3A_263] : memref<8xf32, #tpu.memory_space<smem>>
    memref.store %add3A_262, %arg6[%swap3A_263] : memref<8xf32, #tpu.memory_space<smem>>
    %get3A_265 = arith.constant 3 : index
    %get3A_266 = memref.load %arg6[%get3A_265] : memref<8xf32, #tpu.memory_space<smem>>
    %reduce_sum3A_267 = vector.shape_cast %select_n3A_236 : vector<1024x1xf32> to vector<1x1024x1xf32>
    %reduce_sum3A_268 = arith.constant dense<0.000000e+00> : vector<1xf32>
    %reduce_sum3A_269 = vector.multi_reduction <add>, %reduce_sum3A_267, %reduce_sum3A_268 [1, 2] : vector<1x1024x1xf32> to vector<1xf32>
    %reduce_sum3A_270 = vector.shape_cast %reduce_sum3A_269 : vector<1xf32> to vector<1x1x1xf32>
    %reduce_sum3A_271 = vector.extract %reduce_sum3A_270[0, 0, 0] : f32 from vector<1x1x1xf32>
    %add3A_272 = arith.addf %get3A_266, %reduce_sum3A_271 : f32
    %swap3A_273 = arith.constant 3 : index
    %swap3A_274 = memref.load %arg6[%swap3A_273] : memref<8xf32, #tpu.memory_space<smem>>
    memref.store %add3A_272, %arg6[%swap3A_273] : memref<8xf32, #tpu.memory_space<smem>>
    %dot_general3A_275 = arith.constant dense<0.000000e+00> : vector<1x2048xf32>
    %dot_general3A_276 = tpu.matmul %convert_element_type3A_57, %convert_element_type3A_53, %dot_general3A_275 {dimension_numbers = #tpu.dot_dimension_numbers<[0], [0], [1], [1], [0, 1, 1, 1], [], []>, transpose_lhs_hint = false} : vector<1024x1xf32>, vector<1024x2048xf32>, vector<1x2048xf32> -> vector<1x2048xf32>
    %get3A_277 = arith.constant 0 : index
    %get3A_278 = arith.constant 0 : index
    %get3A_279 = vector.load %arg5[%get3A_277, %get3A_278] : memref<8x2048xf32, #tpu.memory_space<vmem>>, vector<1x2048xf32>
    %add3A_280 = arith.addf %get3A_279, %dot_general3A_276 : vector<1x2048xf32>
    %swap3A_281 = arith.constant 0 : index
    %swap3A_282 = arith.constant 0 : index
    %swap3A_283 = vector.load %arg5[%swap3A_281, %swap3A_282] : memref<8x2048xf32, #tpu.memory_space<vmem>>, vector<1x2048xf32>
    tpu.vector_store %arg5[%swap3A_281, %swap3A_282], %add3A_280 {strides = array<i32>} : memref<8x2048xf32, #tpu.memory_space<vmem>>, vector<1x2048xf32>,
    %eq3A_284 = arith.constant 2 : i32
    %eq3A_285 = arith.cmpi eq, %arg0, %eq3A_284 : i32
    %convert_element_type3A_286 = arith.extui %eq3A_285 : i1 to i32
    %cond3A_287 = arith.constant 0 : i32
    %cond3A_288 = arith.cmpi ne, %convert_element_type3A_286, %cond3A_287 : i32
    scf.if %cond3A_288 {
      %iota3A_289 = tpu.iota {dimensions = array<i32: 0>} : vector<8x128xi32>
      %iota3A_290 = tpu.iota {dimensions = array<i32: 1>} : vector<8x128xi32>
      %eq3A_291 = arith.constant 0 : i32
      %eq3A_292 = vector.broadcast %eq3A_291 : i32 to vector<8x128xi32>
      %eq3A_293 = arith.cmpi eq, %iota3A_290, %eq3A_292 : vector<8x128xi32>
      %get3A_294 = arith.constant 0 : index
      %get3A_295 = memref.load %arg6[%get3A_294] : memref<8xf32, #tpu.memory_space<smem>>
      %eq3A_296 = arith.constant 1 : i32
      %eq3A_297 = vector.broadcast %eq3A_296 : i32 to vector<8x128xi32>
      %eq3A_298 = arith.cmpi eq, %iota3A_290, %eq3A_297 : vector<8x128xi32>
      %get3A_299 = arith.constant 1 : index
      %get3A_300 = memref.load %arg6[%get3A_299] : memref<8xf32, #tpu.memory_space<smem>>
      %eq3A_301 = arith.constant 2 : i32
      %eq3A_302 = vector.broadcast %eq3A_301 : i32 to vector<8x128xi32>
      %eq3A_303 = arith.cmpi eq, %iota3A_290, %eq3A_302 : vector<8x128xi32>
      %get3A_304 = arith.constant 2 : index
      %get3A_305 = memref.load %arg6[%get3A_304] : memref<8xf32, #tpu.memory_space<smem>>
      %get3A_306 = arith.constant 3 : index
      %get3A_307 = memref.load %arg6[%get3A_306] : memref<8xf32, #tpu.memory_space<smem>>
      %broadcast_in_dim3A_308 = vector.broadcast %get3A_305 : f32 to vector<8x128xf32>
      %broadcast_in_dim3A_309 = vector.broadcast %get3A_307 : f32 to vector<8x128xf32>
      %select_n3A_310 = arith.select %eq3A_303, %broadcast_in_dim3A_308, %broadcast_in_dim3A_309 : vector<8x128xi1>, vector<8x128xf32>
      %broadcast_in_dim3A_311 = vector.broadcast %get3A_300 : f32 to vector<8x128xf32>
      %select_n3A_312 = arith.select %eq3A_298, %broadcast_in_dim3A_311, %select_n3A_310 : vector<8x128xi1>, vector<8x128xf32>
      %broadcast_in_dim3A_313 = vector.broadcast %get3A_295 : f32 to vector<8x128xf32>
      %select_n3A_314 = arith.select %eq3A_293, %broadcast_in_dim3A_313, %select_n3A_312 : vector<8x128xi1>, vector<8x128xf32>
      %eq3A_315 = arith.constant 0 : i32
      %eq3A_316 = vector.broadcast %eq3A_315 : i32 to vector<8x128xi32>
      %eq3A_317 = arith.cmpi eq, %iota3A_289, %eq3A_316 : vector<8x128xi32>
      %jit3A_318 = arith.constant 0.000000e+00 : f32
      %broadcast_in_dim3A_319 = vector.broadcast %jit3A_318 : f32 to vector<8x128xf32>
      %select_n3A_320 = arith.select %eq3A_317, %select_n3A_314, %broadcast_in_dim3A_319 : vector<8x128xi1>, vector<8x128xf32>
      %swap3A_321 = arith.constant 0 : index
      %swap3A_322 = arith.constant 0 : index
      %swap3A_323 = vector.load %arg4[%swap3A_321, %swap3A_322] : memref<8x128xf32, #tpu.memory_space<vmem>>, vector<8x128xf32>
      tpu.vector_store %arg4[%swap3A_321, %swap3A_322], %select_n3A_320 {strides = array<i32>} : memref<8x128xf32, #tpu.memory_space<vmem>>, vector<8x128xf32>,
    } else {
    }
    return
  }
  func.func @transform_0(%arg0: i32) -> (i32, i32) {
    %c0_i32 = arith.constant 0 : i32
    %c0_i32_0 = arith.constant 0 : i32
    return %arg0, %c0_i32 : i32, i32
  }
  func.func @transform_1(%arg0: i32) -> (i32, i32) {
    %c0_i32 = arith.constant 0 : i32
    %c0_i32_0 = arith.constant 0 : i32
    %c0_i32_1 = arith.constant 0 : i32
    return %c0_i32, %c0_i32_0 : i32, i32
  }
  func.func @transform_2(%arg0: i32) -> (i32, i32) {
    %c0_i32 = arith.constant 0 : i32
    %c0_i32_0 = arith.constant 0 : i32
    %c0_i32_1 = arith.constant 0 : i32
    return %c0_i32, %c0_i32_0 : i32, i32
  }
  func.func @transform_3(%arg0: i32) -> (i32, i32) {
    %c0_i32 = arith.constant 0 : i32
    %c0_i32_0 = arith.constant 0 : i32
    %c0_i32_1 = arith.constant 0 : i32
    return %c0_i32, %c0_i32_0 : i32, i32
  }
  func.func @transform_4(%arg0: i32) -> (i32, i32) {
    %c0_i32 = arith.constant 0 : i32
    %c0_i32_0 = arith.constant 0 : i32
    %c0_i32_1 = arith.constant 0 : i32
    return %c0_i32, %c0_i32_0 : i32, i32
  }
}

module attributes {stable_mosaic.version = 14 : i64} {
  func.func @_epi_body(%arg0: memref<16x128xf32, #tpu.memory_space<vmem>>, %arg1: memref<16x128xf32, #tpu.memory_space<vmem>>, %arg2: memref<16x128xf32, #tpu.memory_space<vmem>>, %arg3: memref<16x128xf32, #tpu.memory_space<vmem>>, %arg4: memref<16x128xf32, #tpu.memory_space<vmem>>, %arg5: memref<16x128xf32, #tpu.memory_space<vmem>>, %arg6: memref<16x128xf32, #tpu.memory_space<vmem>>, %arg7: memref<16x128xf32, #tpu.memory_space<vmem>>, %arg8: memref<16x128xf32, #tpu.memory_space<vmem>>, %arg9: memref<16x128xf32, #tpu.memory_space<vmem>>, %arg10: memref<16x128xf32, #tpu.memory_space<vmem>>, %arg11: memref<16x128xf32, #tpu.memory_space<vmem>>, %arg12: memref<32x2048xf32, #tpu.memory_space<vmem>>, %arg13: memref<8x128xf32, #tpu.memory_space<vmem>>, %arg14: memref<8x2048xf32, #tpu.memory_space<vmem>>, %arg15: memref<8x128xf32, #tpu.memory_space<vmem>>) attributes {dimension_semantics = [], scalar_prefetch = 0 : i64, scratch_operands = 0 : i64, tpu.core_type = #tpu.core_type<tc>} {
    %get3A = arith.constant 0 : index
    %get3A_0 = arith.constant 0 : index
    %get3A_1 = vector.load %arg6[%get3A, %get3A_0] : memref<16x128xf32, #tpu.memory_space<vmem>>, vector<16x128xf32>
    %gt3A = arith.constant 4.500000e-01 : f32
    %gt3A_2 = vector.broadcast %gt3A : f32 to vector<16x128xf32>
    %gt3A_3 = arith.cmpf ogt, %get3A_1, %gt3A_2 : vector<16x128xf32>
    %get3A_4 = arith.constant 0 : index
    %get3A_5 = arith.constant 0 : index
    %get3A_6 = vector.load %arg0[%get3A_4, %get3A_5] : memref<16x128xf32, #tpu.memory_space<vmem>>, vector<16x128xf32>
    %get3A_7 = arith.constant 0 : index
    %get3A_8 = arith.constant 0 : index
    %get3A_9 = vector.load %arg1[%get3A_7, %get3A_8] : memref<16x128xf32, #tpu.memory_space<vmem>>, vector<16x128xf32>
    %get3A_10 = arith.constant 0 : index
    %get3A_11 = arith.constant 0 : index
    %get3A_12 = vector.load %arg2[%get3A_10, %get3A_11] : memref<16x128xf32, #tpu.memory_space<vmem>>, vector<16x128xf32>
    %get3A_13 = arith.constant 0 : index
    %get3A_14 = arith.constant 0 : index
    %get3A_15 = vector.load %arg3[%get3A_13, %get3A_14] : memref<16x128xf32, #tpu.memory_space<vmem>>, vector<16x128xf32>
    %get3A_16 = arith.constant 0 : index
    %get3A_17 = arith.constant 0 : index
    %get3A_18 = vector.load %arg4[%get3A_16, %get3A_17] : memref<16x128xf32, #tpu.memory_space<vmem>>, vector<16x128xf32>
    %get3A_19 = arith.constant 0 : index
    %get3A_20 = arith.constant 0 : index
    %get3A_21 = vector.load %arg5[%get3A_19, %get3A_20] : memref<16x128xf32, #tpu.memory_space<vmem>>, vector<16x128xf32>
    %get3A_22 = arith.constant 0 : index
    %get3A_23 = arith.constant 0 : index
    %get3A_24 = vector.load %arg7[%get3A_22, %get3A_23] : memref<16x128xf32, #tpu.memory_space<vmem>>, vector<16x128xf32>
    %get3A_25 = arith.constant 0 : index
    %get3A_26 = arith.constant 0 : index
    %get3A_27 = vector.load %arg8[%get3A_25, %get3A_26] : memref<16x128xf32, #tpu.memory_space<vmem>>, vector<16x128xf32>
    %get3A_28 = arith.constant 0 : index
    %get3A_29 = arith.constant 0 : index
    %get3A_30 = vector.load %arg9[%get3A_28, %get3A_29] : memref<16x128xf32, #tpu.memory_space<vmem>>, vector<16x128xf32>
    %get3A_31 = arith.constant 0 : index
    %get3A_32 = arith.constant 0 : index
    %get3A_33 = vector.load %arg10[%get3A_31, %get3A_32] : memref<16x128xf32, #tpu.memory_space<vmem>>, vector<16x128xf32>
    %get3A_34 = arith.constant 0 : index
    %get3A_35 = arith.constant 0 : index
    %get3A_36 = vector.load %arg11[%get3A_34, %get3A_35] : memref<16x128xf32, #tpu.memory_space<vmem>>, vector<16x128xf32>
    %gt3A_37 = arith.constant 0.000000e+00 : f32
    %gt3A_38 = vector.broadcast %gt3A_37 : f32 to vector<16x128xf32>
    %gt3A_39 = arith.cmpf ogt, %get3A_18, %gt3A_38 : vector<16x128xf32>
    %jit3A = arith.constant 1.000000e+00 : f32
    %broadcast_in_dim3A = vector.broadcast %jit3A : f32 to vector<16x128xf32>
    %select_n3A = arith.select %gt3A_39, %get3A_18, %broadcast_in_dim3A : vector<16x128xi1>, vector<16x128xf32>
    %log3A = math.log %select_n3A : vector<16x128xf32>
    %jit3A_40 = arith.constant -1.000000e+02 : f32
    %broadcast_in_dim3A_41 = vector.broadcast %jit3A_40 : f32 to vector<16x128xf32>
    %select_n3A_42 = arith.select %gt3A_39, %log3A, %broadcast_in_dim3A_41 : vector<16x128xi1>, vector<16x128xf32>
    %neg3A = arith.constant 0.000000e+00 : f32
    %neg3A_43 = vector.broadcast %neg3A : f32 to vector<16x128xf32>
    %neg3A_44 = arith.subf %neg3A_43, %get3A_18 : vector<16x128xf32>
    %log1p3A = math.log1p %neg3A_44 : vector<16x128xf32>
    %max3A = arith.constant -1.000000e+02 : f32
    %max3A_45 = vector.broadcast %max3A : f32 to vector<16x128xf32>
    %max3A_46 = arith.maximumf %log1p3A, %max3A_45 : vector<16x128xf32>
    %eq3A = arith.cmpf oeq, %get3A_36, %get3A_21 : vector<16x128xf32>
    %neg3A_47 = arith.constant 0.000000e+00 : f32
    %neg3A_48 = vector.broadcast %neg3A_47 : f32 to vector<16x128xf32>
    %neg3A_49 = arith.subf %neg3A_48, %select_n3A_42 : vector<16x128xf32>
    %sub3A = arith.constant 1.000000e+02 : f32
    %sub3A_50 = vector.broadcast %sub3A : f32 to vector<16x128xf32>
    %sub3A_51 = arith.subf %sub3A_50, %max3A_46 : vector<16x128xf32>
    %select_n3A_52 = arith.select %eq3A, %neg3A_49, %sub3A_51 : vector<16x128xi1>, vector<16x128xf32>
    %jit3A_53 = arith.constant 0.000000e+00 : f32
    %broadcast_in_dim3A_54 = vector.broadcast %jit3A_53 : f32 to vector<16x128xf32>
    %select_n3A_55 = arith.select %gt3A_3, %select_n3A_52, %broadcast_in_dim3A_54 : vector<16x128xi1>, vector<16x128xf32>
    %not3A = arith.constant dense<true> : vector<16x128xi1>
    %not3A_56 = arith.xori %gt3A_3, %not3A : vector<16x128xi1>
    %jit3A_57 = arith.constant 0.000000e+00 : f32
    %broadcast_in_dim3A_58 = vector.broadcast %jit3A_57 : f32 to vector<16x128xf32>
    %select_n3A_59 = arith.select %not3A_56, %select_n3A_42, %broadcast_in_dim3A_58 : vector<16x128xi1>, vector<16x128xf32>
    %sub3A_60 = arith.subf %get3A_12, %get3A_6 : vector<16x128xf32>
    %sub3A_61 = arith.subf %get3A_15, %get3A_9 : vector<16x128xf32>
    %add3A = arith.constant 1.000000e-07 : f32
    %add3A_62 = vector.broadcast %add3A : f32 to vector<16x128xf32>
    %add3A_63 = arith.addf %sub3A_61, %add3A_62 : vector<16x128xf32>
    %sub3A_64 = arith.subf %get3A_30, %get3A_24 : vector<16x128xf32>
    %sub3A_65 = arith.subf %get3A_33, %get3A_27 : vector<16x128xf32>
    %add3A_66 = arith.constant 1.000000e-07 : f32
    %add3A_67 = vector.broadcast %add3A_66 : f32 to vector<16x128xf32>
    %add3A_68 = arith.addf %sub3A_65, %add3A_67 : vector<16x128xf32>
    %min3A = arith.minimumf %get3A_12, %get3A_30 : vector<16x128xf32>
    %max3A_69 = arith.maximumf %get3A_6, %get3A_24 : vector<16x128xf32>
    %sub3A_70 = arith.subf %min3A, %max3A_69 : vector<16x128xf32>
    %max3A_71 = arith.constant 0.000000e+00 : f32
    %max3A_72 = vector.broadcast %max3A_71 : f32 to vector<16x128xf32>
    %max3A_73 = arith.maximumf %sub3A_70, %max3A_72 : vector<16x128xf32>
    %min3A_74 = arith.minimumf %get3A_15, %get3A_33 : vector<16x128xf32>
    %max3A_75 = arith.maximumf %get3A_9, %get3A_27 : vector<16x128xf32>
    %sub3A_76 = arith.subf %min3A_74, %max3A_75 : vector<16x128xf32>
    %max3A_77 = arith.constant 0.000000e+00 : f32
    %max3A_78 = vector.broadcast %max3A_77 : f32 to vector<16x128xf32>
    %max3A_79 = arith.maximumf %sub3A_76, %max3A_78 : vector<16x128xf32>
    %mul3A = arith.mulf %max3A_73, %max3A_79 : vector<16x128xf32>
    %mul3A_80 = arith.mulf %sub3A_60, %add3A_63 : vector<16x128xf32>
    %mul3A_81 = arith.mulf %sub3A_64, %add3A_68 : vector<16x128xf32>
    %add3A_82 = arith.addf %mul3A_80, %mul3A_81 : vector<16x128xf32>
    %sub3A_83 = arith.subf %add3A_82, %mul3A : vector<16x128xf32>
    %add3A_84 = arith.constant 1.000000e-07 : f32
    %add3A_85 = vector.broadcast %add3A_84 : f32 to vector<16x128xf32>
    %add3A_86 = arith.addf %sub3A_83, %add3A_85 : vector<16x128xf32>
    %div3A = arith.divf %mul3A, %add3A_86 : vector<16x128xf32>
    %max3A_87 = arith.maximumf %get3A_12, %get3A_30 : vector<16x128xf32>
    %min3A_88 = arith.minimumf %get3A_6, %get3A_24 : vector<16x128xf32>
    %sub3A_89 = arith.subf %max3A_87, %min3A_88 : vector<16x128xf32>
    %max3A_90 = arith.maximumf %get3A_15, %get3A_33 : vector<16x128xf32>
    %min3A_91 = arith.minimumf %get3A_9, %get3A_27 : vector<16x128xf32>
    %sub3A_92 = arith.subf %max3A_90, %min3A_91 : vector<16x128xf32>
    %mul3A_93 = arith.mulf %sub3A_89, %sub3A_89 : vector<16x128xf32>
    %mul3A_94 = arith.mulf %sub3A_92, %sub3A_92 : vector<16x128xf32>
    %add3A_95 = arith.addf %mul3A_93, %mul3A_94 : vector<16x128xf32>
    %add3A_96 = arith.constant 1.000000e-07 : f32
    %add3A_97 = vector.broadcast %add3A_96 : f32 to vector<16x128xf32>
    %add3A_98 = arith.addf %add3A_95, %add3A_97 : vector<16x128xf32>
    %add3A_99 = arith.addf %get3A_24, %get3A_30 : vector<16x128xf32>
    %sub3A_100 = arith.subf %add3A_99, %get3A_6 : vector<16x128xf32>
    %sub3A_101 = arith.subf %sub3A_100, %get3A_12 : vector<16x128xf32>
    %integer_pow3A = arith.mulf %sub3A_101, %sub3A_101 : vector<16x128xf32>
    %add3A_102 = arith.addf %get3A_27, %get3A_33 : vector<16x128xf32>
    %sub3A_103 = arith.subf %add3A_102, %get3A_9 : vector<16x128xf32>
    %sub3A_104 = arith.subf %sub3A_103, %get3A_15 : vector<16x128xf32>
    %integer_pow3A_105 = arith.mulf %sub3A_104, %sub3A_104 : vector<16x128xf32>
    %add3A_106 = arith.addf %integer_pow3A, %integer_pow3A_105 : vector<16x128xf32>
    %div3A_107 = arith.constant 4.000000e+00 : f32
    %div3A_108 = vector.broadcast %div3A_107 : f32 to vector<16x128xf32>
    %div3A_109 = arith.divf %add3A_106, %div3A_108 : vector<16x128xf32>
    %mul3A_110 = arith.mulf %sub3A_64, %add3A_63 : vector<16x128xf32>
    %mul3A_111 = arith.mulf %sub3A_60, %add3A_68 : vector<16x128xf32>
    %sub3A_112 = arith.subf %mul3A_110, %mul3A_111 : vector<16x128xf32>
    %mul3A_113 = arith.mulf %add3A_63, %add3A_68 : vector<16x128xf32>
    %mul3A_114 = arith.mulf %sub3A_60, %sub3A_64 : vector<16x128xf32>
    %add3A_115 = arith.addf %mul3A_113, %mul3A_114 : vector<16x128xf32>
    %div3A_116 = arith.divf %sub3A_112, %add3A_115 : vector<16x128xf32>
    %abs3A = math.absf %div3A_116 : vector<16x128xf32>
    %gt3A_117 = arith.constant 2.41421366 : f32
    %gt3A_118 = vector.broadcast %gt3A_117 : f32 to vector<16x128xf32>
    %gt3A_119 = arith.cmpf ogt, %abs3A, %gt3A_118 : vector<16x128xf32>
    %gt3A_120 = arith.constant 0.414213568 : f32
    %gt3A_121 = vector.broadcast %gt3A_120 : f32 to vector<16x128xf32>
    %gt3A_122 = arith.cmpf ogt, %abs3A, %gt3A_121 : vector<16x128xf32>
    %max3A_123 = arith.constant 1.000000e-30 : f32
    %max3A_124 = vector.broadcast %max3A_123 : f32 to vector<16x128xf32>
    %max3A_125 = arith.maximumf %abs3A, %max3A_124 : vector<16x128xf32>
    %div3A_126 = arith.constant -1.000000e+00 : f32
    %div3A_127 = vector.broadcast %div3A_126 : f32 to vector<16x128xf32>
    %div3A_128 = arith.divf %div3A_127, %max3A_125 : vector<16x128xf32>
    %sub3A_129 = arith.constant 1.000000e+00 : f32
    %sub3A_130 = vector.broadcast %sub3A_129 : f32 to vector<16x128xf32>
    %sub3A_131 = arith.subf %abs3A, %sub3A_130 : vector<16x128xf32>
    %add3A_132 = arith.constant 1.000000e+00 : f32
    %add3A_133 = vector.broadcast %add3A_132 : f32 to vector<16x128xf32>
    %add3A_134 = arith.addf %abs3A, %add3A_133 : vector<16x128xf32>
    %div3A_135 = arith.divf %sub3A_131, %add3A_134 : vector<16x128xf32>
    %select_n3A_136 = arith.select %gt3A_122, %div3A_135, %abs3A : vector<16x128xi1>, vector<16x128xf32>
    %select_n3A_137 = arith.select %gt3A_119, %div3A_128, %select_n3A_136 : vector<16x128xi1>, vector<16x128xf32>
    %jit3A_138 = arith.constant 0.785398185 : f32
    %jit3A_139 = arith.constant 0.000000e+00 : f32
    %broadcast_in_dim3A_140 = vector.broadcast %jit3A_138 : f32 to vector<16x128xf32>
    %broadcast_in_dim3A_141 = vector.broadcast %jit3A_139 : f32 to vector<16x128xf32>
    %select_n3A_142 = arith.select %gt3A_122, %broadcast_in_dim3A_140, %broadcast_in_dim3A_141 : vector<16x128xi1>, vector<16x128xf32>
    %jit3A_143 = arith.constant 1.57079637 : f32
    %broadcast_in_dim3A_144 = vector.broadcast %jit3A_143 : f32 to vector<16x128xf32>
    %select_n3A_145 = arith.select %gt3A_119, %broadcast_in_dim3A_144, %select_n3A_142 : vector<16x128xi1>, vector<16x128xf32>
    %mul3A_146 = arith.mulf %select_n3A_137, %select_n3A_137 : vector<16x128xf32>
    %mul3A_147 = arith.constant 0.0805374458 : f32
    %mul3A_148 = vector.broadcast %mul3A_147 : f32 to vector<16x128xf32>
    %mul3A_149 = arith.mulf %mul3A_148, %mul3A_146 : vector<16x128xf32>
    %sub3A_150 = arith.constant 0.138776854 : f32
    %sub3A_151 = vector.broadcast %sub3A_150 : f32 to vector<16x128xf32>
    %sub3A_152 = arith.subf %mul3A_149, %sub3A_151 : vector<16x128xf32>
    %mul3A_153 = arith.mulf %sub3A_152, %mul3A_146 : vector<16x128xf32>
    %add3A_154 = arith.constant 0.199777111 : f32
    %add3A_155 = vector.broadcast %add3A_154 : f32 to vector<16x128xf32>
    %add3A_156 = arith.addf %mul3A_153, %add3A_155 : vector<16x128xf32>
    %mul3A_157 = arith.mulf %add3A_156, %mul3A_146 : vector<16x128xf32>
    %sub3A_158 = arith.constant 0.333329499 : f32
    %sub3A_159 = vector.broadcast %sub3A_158 : f32 to vector<16x128xf32>
    %sub3A_160 = arith.subf %mul3A_157, %sub3A_159 : vector<16x128xf32>
    %mul3A_161 = arith.mulf %sub3A_160, %mul3A_146 : vector<16x128xf32>
    %mul3A_162 = arith.mulf %mul3A_161, %select_n3A_137 : vector<16x128xf32>
    %add3A_163 = arith.addf %mul3A_162, %select_n3A_137 : vector<16x128xf32>
    %sign3A = tpu.bitcast %div3A_116 : vector<16x128xf32> -> vector<16x128xi32>
    %sign3A_164 = arith.constant -2147483648 : i32
    %sign3A_165 = vector.broadcast %sign3A_164 : i32 to vector<16x128xi32>
    %sign3A_166 = arith.andi %sign3A, %sign3A_165 : vector<16x128xi32>
    %sign3A_167 = arith.constant 1065353216 : i32
    %sign3A_168 = vector.broadcast %sign3A_167 : i32 to vector<16x128xi32>
    %sign3A_169 = arith.ori %sign3A_168, %sign3A_166 : vector<16x128xi32>
    %sign3A_170 = tpu.bitcast %sign3A_169 : vector<16x128xi32> -> vector<16x128xf32>
    %sign3A_171 = math.absf %div3A_116 : vector<16x128xf32>
    %sign3A_172 = arith.constant 0.000000e+00 : f32
    %sign3A_173 = vector.broadcast %sign3A_172 : f32 to vector<16x128xf32>
    %sign3A_174 = arith.cmpf ogt, %sign3A_171, %sign3A_173 : vector<16x128xf32>
    %sign3A_175 = arith.select %sign3A_174, %sign3A_170, %div3A_116 : vector<16x128xi1>, vector<16x128xf32>
    %add3A_176 = arith.addf %select_n3A_145, %add3A_163 : vector<16x128xf32>
    %mul3A_177 = arith.mulf %sign3A_175, %add3A_176 : vector<16x128xf32>
    %integer_pow3A_178 = arith.mulf %mul3A_177, %mul3A_177 : vector<16x128xf32>
    %mul3A_179 = arith.constant 0.405284733 : f32
    %mul3A_180 = vector.broadcast %mul3A_179 : f32 to vector<16x128xf32>
    %mul3A_181 = arith.mulf %mul3A_180, %integer_pow3A_178 : vector<16x128xf32>
    %sub3A_182 = arith.subf %mul3A_181, %div3A : vector<16x128xf32>
    %add3A_183 = arith.constant 1.00000012 : f32
    %add3A_184 = vector.broadcast %add3A_183 : f32 to vector<16x128xf32>
    %add3A_185 = arith.addf %sub3A_182, %add3A_184 : vector<16x128xf32>
    %div3A_186 = arith.divf %mul3A_181, %add3A_185 : vector<16x128xf32>
    %div3A_187 = arith.divf %div3A_109, %add3A_98 : vector<16x128xf32>
    %mul3A_188 = arith.mulf %mul3A_181, %div3A_186 : vector<16x128xf32>
    %add3A_189 = arith.addf %div3A_187, %mul3A_188 : vector<16x128xf32>
    %sub3A_190 = arith.subf %div3A, %add3A_189 : vector<16x128xf32>
    %sub3A_191 = arith.constant 1.000000e+00 : f32
    %sub3A_192 = vector.broadcast %sub3A_191 : f32 to vector<16x128xf32>
    %sub3A_193 = arith.subf %sub3A_192, %sub3A_190 : vector<16x128xf32>
    %jit3A_194 = arith.constant 0.000000e+00 : f32
    %broadcast_in_dim3A_195 = vector.broadcast %jit3A_194 : f32 to vector<16x128xf32>
    %select_n3A_196 = arith.select %gt3A_3, %sub3A_193, %broadcast_in_dim3A_195 : vector<16x128xi1>, vector<16x128xf32>
    %get3A_197 = arith.constant 0 : index
    %get3A_198 = arith.constant 0 : index
    %get3A_199 = vector.load %arg13[%get3A_197, %get3A_198] : memref<8x128xf32, #tpu.memory_space<vmem>>, vector<8x128xf32>
    %convert_element_type3A = arith.extui %gt3A_3 : vector<16x128xi1> to vector<16x128xi32>
    %convert_element_type3A_200 = arith.sitofp %convert_element_type3A : vector<16x128xi32> to vector<16x128xf32>
    %reduce_sum3A = vector.shape_cast %convert_element_type3A_200 : vector<16x128xf32> to vector<1x16x128xf32>
    %reduce_sum3A_201 = arith.constant dense<0.000000e+00> : vector<1xf32>
    %reduce_sum3A_202 = vector.multi_reduction <add>, %reduce_sum3A, %reduce_sum3A_201 [1, 2] : vector<1x16x128xf32> to vector<1xf32>
    %reduce_sum3A_203 = vector.shape_cast %reduce_sum3A_202 : vector<1xf32> to vector<1x1x1xf32>
    %reduce_sum3A_204 = vector.extract %reduce_sum3A_203[0, 0, 0] : f32 from vector<1x1x1xf32>
    %slice3A = vector.extract_strided_slice %get3A_199 {offsets = [0, 0], sizes = [1, 1], strides = [1, 1]} : vector<8x128xf32> to vector<1x1xf32>
    %squeeze3A = vector.extract %slice3A[0, 0] : f32 from vector<1x1xf32>
    %add3A_205 = arith.addf %reduce_sum3A_204, %squeeze3A : f32
    %max3A_206 = arith.constant 1.000000e+00 : f32
    %max3A_207 = arith.maximumf %add3A_205, %max3A_206 : f32
    %reduce_sum3A_208 = vector.shape_cast %select_n3A_55 : vector<16x128xf32> to vector<1x16x128xf32>
    %reduce_sum3A_209 = arith.constant dense<0.000000e+00> : vector<1xf32>
    %reduce_sum3A_210 = vector.multi_reduction <add>, %reduce_sum3A_208, %reduce_sum3A_209 [1, 2] : vector<1x16x128xf32> to vector<1xf32>
    %reduce_sum3A_211 = vector.shape_cast %reduce_sum3A_210 : vector<1xf32> to vector<1x1x1xf32>
    %reduce_sum3A_212 = vector.extract %reduce_sum3A_211[0, 0, 0] : f32 from vector<1x1x1xf32>
    %slice3A_213 = vector.extract_strided_slice %get3A_199 {offsets = [0, 1], sizes = [1, 1], strides = [1, 1]} : vector<8x128xf32> to vector<1x1xf32>
    %squeeze3A_214 = vector.extract %slice3A_213[0, 0] : f32 from vector<1x1xf32>
    %add3A_215 = arith.addf %reduce_sum3A_212, %squeeze3A_214 : f32
    %reduce_sum3A_216 = vector.shape_cast %select_n3A_59 : vector<16x128xf32> to vector<1x16x128xf32>
    %reduce_sum3A_217 = arith.constant dense<0.000000e+00> : vector<1xf32>
    %reduce_sum3A_218 = vector.multi_reduction <add>, %reduce_sum3A_216, %reduce_sum3A_217 [1, 2] : vector<1x16x128xf32> to vector<1xf32>
    %reduce_sum3A_219 = vector.shape_cast %reduce_sum3A_218 : vector<1xf32> to vector<1x1x1xf32>
    %reduce_sum3A_220 = vector.extract %reduce_sum3A_219[0, 0, 0] : f32 from vector<1x1x1xf32>
    %slice3A_221 = vector.extract_strided_slice %get3A_199 {offsets = [0, 2], sizes = [1, 1], strides = [1, 1]} : vector<8x128xf32> to vector<1x1xf32>
    %squeeze3A_222 = vector.extract %slice3A_221[0, 0] : f32 from vector<1x1xf32>
    %add3A_223 = arith.addf %reduce_sum3A_220, %squeeze3A_222 : f32
    %reduce_sum3A_224 = vector.shape_cast %select_n3A_196 : vector<16x128xf32> to vector<1x16x128xf32>
    %reduce_sum3A_225 = arith.constant dense<0.000000e+00> : vector<1xf32>
    %reduce_sum3A_226 = vector.multi_reduction <add>, %reduce_sum3A_224, %reduce_sum3A_225 [1, 2] : vector<1x16x128xf32> to vector<1xf32>
    %reduce_sum3A_227 = vector.shape_cast %reduce_sum3A_226 : vector<1xf32> to vector<1x1x1xf32>
    %reduce_sum3A_228 = vector.extract %reduce_sum3A_227[0, 0, 0] : f32 from vector<1x1x1xf32>
    %slice3A_229 = vector.extract_strided_slice %get3A_199 {offsets = [0, 3], sizes = [1, 1], strides = [1, 1]} : vector<8x128xf32> to vector<1x1xf32>
    %squeeze3A_230 = vector.extract %slice3A_229[0, 0] : f32 from vector<1x1xf32>
    %add3A_231 = arith.addf %reduce_sum3A_228, %squeeze3A_230 : f32
    %get3A_232 = arith.constant 0 : index
    %get3A_233 = arith.constant 0 : index
    %get3A_234 = vector.load %arg12[%get3A_232, %get3A_233] : memref<32x2048xf32, #tpu.memory_space<vmem>>, vector<32x2048xf32>
    %reduce_max3A = arith.constant dense<0xFF800000> : vector<2048xf32>
    %reduce_max3A_235 = vector.multi_reduction <maximumf>, %get3A_234, %reduce_max3A [0] : vector<32x2048xf32> to vector<2048xf32>
    %broadcast_in_dim3A_236 = vector.shape_cast %reduce_max3A_235 : vector<2048xf32> to vector<1x2048xf32>
    %get3A_237 = arith.constant 0 : index
    %get3A_238 = arith.constant 0 : index
    %get3A_239 = vector.load %arg14[%get3A_237, %get3A_238] : memref<8x2048xf32, #tpu.memory_space<vmem>>, vector<1x2048xf32>
    %add3A_240 = arith.addf %broadcast_in_dim3A_236, %get3A_239 : vector<1x2048xf32>
    %gt3A_241 = arith.constant 0.000000e+00 : f32
    %gt3A_242 = vector.broadcast %gt3A_241 : f32 to vector<1x2048xf32>
    %gt3A_243 = arith.cmpf ogt, %add3A_240, %gt3A_242 : vector<1x2048xf32>
    %convert_element_type3A_244 = arith.extui %gt3A_243 : vector<1x2048xi1> to vector<1x2048xi32>
    %convert_element_type3A_245 = arith.sitofp %convert_element_type3A_244 : vector<1x2048xi32> to vector<1x2048xf32>
    %reduce_sum3A_246 = vector.shape_cast %convert_element_type3A_245 : vector<1x2048xf32> to vector<1x1x2048xf32>
    %reduce_sum3A_247 = arith.constant dense<0.000000e+00> : vector<1xf32>
    %reduce_sum3A_248 = vector.multi_reduction <add>, %reduce_sum3A_246, %reduce_sum3A_247 [1, 2] : vector<1x1x2048xf32> to vector<1xf32>
    %reduce_sum3A_249 = vector.shape_cast %reduce_sum3A_248 : vector<1xf32> to vector<1x1x1xf32>
    %reduce_sum3A_250 = vector.extract %reduce_sum3A_249[0, 0, 0] : f32 from vector<1x1x1xf32>
    %mul3A_251 = arith.constant 8.000000e+01 : f32
    %mul3A_252 = arith.mulf %max3A_207, %mul3A_251 : f32
    %div3A_253 = arith.divf %add3A_215, %mul3A_252 : f32
    %sub3A_254 = arith.subf %div3A_253, %add3A_223 : f32
    %sub3A_255 = arith.constant 2.000000e+03 : f32
    %sub3A_256 = arith.subf %sub3A_255, %reduce_sum3A_250 : f32
    %add3A_257 = arith.addf %sub3A_254, %sub3A_256 : f32
    %mul3A_258 = arith.constant 5.000000e-01 : f32
    %mul3A_259 = arith.mulf %mul3A_258, %add3A_257 : f32
    %div3A_260 = arith.divf %add3A_231, %max3A_207 : f32
    %mul3A_261 = arith.constant 7.500000e+00 : f32
    %mul3A_262 = arith.mulf %mul3A_261, %div3A_260 : f32
    %add3A_263 = arith.addf %mul3A_259, %mul3A_262 : f32
    %broadcast_in_dim3A_264 = vector.broadcast %add3A_263 : f32 to vector<8x128xf32>
    %swap3A = arith.constant 0 : index
    %swap3A_265 = arith.constant 0 : index
    %swap3A_266 = vector.load %arg15[%swap3A, %swap3A_265] : memref<8x128xf32, #tpu.memory_space<vmem>>, vector<8x128xf32>
    tpu.vector_store %arg15[%swap3A, %swap3A_265], %broadcast_in_dim3A_264 {strides = array<i32>} : memref<8x128xf32, #tpu.memory_space<vmem>>, vector<8x128xf32>,
    return
  }
}

</mosaic_0001>

<sc_bundles>
// kernel: kernel.5.cloned.1.call-start
scs
__scs_entry_jumppad:
0x0: {  	(pc) =	sbr.rel $0x88, $3  }
0x1: {  	(tag) =	ssettag $0x0;
	lr =	simm.s32 $0x1  }
0x2: {  	[smem:$0x3F9F] =	sst lr;
	_ =	strace $0xD0000000  }
0x3: {  	_ = 	snop  }
0x4: {  	_ = 	snop  }
0x5: {  	_ = 	snop  }
0x6: {  	_ = 	snop  }
0x7: {  	_ = 	snop  }
__scs_overlays_trampoline_lowered:
0x8: {  	[smem:$0x3FAE] =	sst s0  }
0x9: {  	[smem:$0x3FAF] =	sst s1  }
0xa: {  	[smem:$0x3FB0] =	sst s2  }
0xb: {  	[smem:$0x3FB1] =	sst s3  }
0xc: {  	[smem:$0x3FB2] =	sst s4  }
0xd: {  	[smem:$0x3FB3] =	sst s5  }
0xe: {  	[smem:$0x3FB4] =	sst s6  }
0xf: {  	[smem:$0x3FB5] =	sst s7  }
0x10: {  	[smem:$0x3FB6] =	sst s8  }
0x11: {  	[smem:$0x3FB7] =	sst s9;
	s0 =	simm.s32 @!p0 $0x0  }
0x12: {  	s1 =	sld [smem:$0x3F9D];
	s0 =	simm.s32 @p0 $0x1  }
0x13: {  	[smem:$0x3FB8] =	sst s0;
	s0 =	simm.s32 @!p1 $0x0  }
0x14: {  	s2 =	sld [smem:$0x3F9C];
	s0 =	simm.s32 @p1 $0x1  }
0x15: {  	[smem:$0x3FB9] =	sst s0;
	s0 =	simm.s32 @!p2 $0x0  }
0x16: {  	s3 =	sld [smem:$0x3FDB];
	s0 =	simm.s32 @p2 $0x1  }
0x17: {  	s4 =	simm.s32 $0x1BF5;
	[smem:$0x3FBB] =	sst s0  }
0x18: {  	s0 =	sld [smem:$0x3F9E];
	_ =	swait.ge [sflag:s4], $0x0  }
0x19: {  	s7 =	sld [smem:$0x3F9F]  }
0x1a: {  	s8 =	sadd.s32 $0xFFFFE003, lr  }
0x1b: {  	s9 =	sadd.s32 $0xFFFFFEF7, lr;
	s5 =	simm.s32 $0xFFFFFFFF;
	p2 =	slt.u32 s8, $0xFFFFF086  }
0x1c: {  	p1 =	slt.u32 s9, $0xF7A;
	s5 =	simm.s32 @!p2 $0x0  }
0x1d: {  	s5 =	simm.s32 @p1 $0x1;
	p0 =	seq.s32 s7, s2  }
0x1e: {  	s7 =	smul.u32 @!p0 $0xF7A, s2;
	p2 =	seq.s32 @!p0 s5, $0x0  }
0x1f: {  	s9 =	smul.u32 $0xF7A, s1;
	s8 =	simm.s32 @!p0 $0x1BF5;
	p2 =	por !p2, p0  }
0x20: {  	[sflag:s8] =	ssyncset.s32 @!p0 $0xFFFFF086;
	s6 =	sadd.s32 @!p0 s3, s7;
	s7 =	simm.s32 @!p0 $0x108  }
0x21: {  	s3 =	sadd.s32 s3, s9;
	s6 =	sadd.s32 @!p0 $0x88, s6;
	s7 =	simm.s32 @p2 $0x1082  }
0x22: {  	[simem:s7], [sflag:s8] =	dma.local @!p0 [hbm:s6], $0xF7A  }
0x23: {  	s9 =	sor.u32 $0xD0000000, s2;
	s6 =	simm.s32 $0x108;
	_ =	swait.ge @!p0 [sflag:s8], $0x0  }
0x24: {  	s3 =	sadd.s32 $0x88, s3;
	s6 =	simm.s32 @!p1 $0x1082;
	[sflag:s4] =	ssyncset.s32 $0xFFFFF086  }
0x25: {  	[simem:s6], [sflag:s4] =	dma.local [hbm:s3], $0xF7A  }
0x26: {  	[smem:$0x3F9F] =	sst s1;
	(tag) =	ssettag s2;
	_ =	strace s9  }
0x27: {  	s1 =	sld [smem:$0x3FAF]  }
0x28: {  	s2 =	sld [smem:$0x3FB0]  }
0x29: {  	s4 =	sld [smem:$0x3FB2]  }
0x2a: {  	p0 =	seq.s32 s5, $0x0;
	s5 =	sld [smem:$0x3FB3]  }
0x2b: {  	s6 =	sld [smem:$0x3FB4]  }
0x2c: {  	s7 =	sld [smem:$0x3FB5]  }
0x2d: {  	s3 =	simm.s32 $0x108;
	s8 =	sld [smem:$0x3FB6]  }
0x2e: {  	s3 =	simm.s32 @!p0 $0x1082;
	s9 =	sld [smem:$0x3FB7]  }
0x2f: {  	lr =	sadd.s32 s0, s3;
	s0 =	sld [smem:$0x3FAE]  }
0x30: {  	s3 =	sld [smem:$0x3FB1]  }
0x31: {  	[smem:$0x3FBA] =	sst s10  }
0x32: {  	s10 =	sld [smem:$0x3FB8];
	_ =	sdelay $0x3  }
0x33: {  	p0 =	seq.s32 s10, $0x1;
	s10 =	sld [smem:$0x3FBA];
	_ =	sdelay $0x3  }
0x34: {  	[smem:$0x3FBA] =	sst s10  }
0x35: {  	s10 =	sld [smem:$0x3FB9];
	_ =	sdelay $0x3  }
0x36: {  	p1 =	seq.s32 s10, $0x1;
	s10 =	sld [smem:$0x3FBA];
	_ =	sdelay $0x3  }
0x37: {  	[smem:$0x3FBA] =	sst s10  }
0x38: {  	s10 =	sld [smem:$0x3FBB]  }
0x39: {  	_ = 	snop;
	(pc) =	sbr.ind lr, $3  }
0x3a: {  	_ = 	snop  }
0x3b: {  	_ = 	snop  }
0x3c: {  	p2 =	seq.s32 s10, $0x1;
	s10 =	sld [smem:$0x3FBA]  }
0x3d: {  	_ =	shalt  }
0x3e: {  	_ =	shalt  }
0x3f: {  	_ =	shalt  }
0x40: {  	_ =	shalt  }
0x41: {  	_ =	shalt  }
0x42: {  	_ =	shalt  }
0x43: {  	_ =	shalt  }
0x44: {  	_ =	shalt  }
0x45: {  	_ =	shalt  }
0x46: {  	_ =	shalt  }
0x47: {  	_ =	shalt  }
0x48: {  	_ =	shalt  }
0x49: {  	_ =	shalt  }
0x4a: {  	_ =	shalt  }
0x4b: {  	_ =	shalt  }
0x4c: {  	_ =	shalt  }
0x4d: {  	_ =	shalt  }
0x4e: {  	_ =	shalt  }
0x4f: {  	_ =	shalt  }
0x50: {  	_ =	shalt  }
0x51: {  	_ =	shalt  }
0x52: {  	_ =	shalt  }
0x53: {  	_ =	shalt  }
0x54: {  	_ =	shalt  }
0x55: {  	_ =	shalt  }
0x56: {  	_ =	shalt  }
0x57: {  	_ =	shalt  }
0x58: {  	_ =	shalt  }
0x59: {  	_ =	shalt  }
0x5a: {  	_ =	shalt  }
0x5b: {  	_ =	shalt  }
0x5c: {  	_ =	shalt  }
0x5d: {  	_ =	shalt  }
0x5e: {  	_ =	shalt  }
0x5f: {  	_ =	shalt  }
0x60: {  	_ =	shalt  }
0x61: {  	_ =	shalt  }
0x62: {  	_ =	shalt  }
0x63: {  	_ =	shalt  }
0x64: {  	_ =	shalt  }
0x65: {  	_ =	shalt  }
0x66: {  	_ =	shalt  }
0x67: {  	_ =	shalt  }
0x68: {  	_ =	shalt  }
0x69: {  	_ =	shalt  }
0x6a: {  	_ =	shalt  }
0x6b: {  	_ =	shalt  }
0x6c: {  	_ =	shalt  }
0x6d: {  	_ =	shalt  }
0x6e: {  	_ =	shalt  }
0x6f: {  	_ =	shalt  }
0x70: {  	_ =	shalt  }
0x71: {  	_ =	shalt  }
0x72: {  	_ =	shalt  }
0x73: {  	_ =	shalt  }
0x74: {  	_ =	shalt  }
0x75: {  	_ =	shalt  }
0x76: {  	_ =	shalt  }
0x77: {  	_ =	shalt  }
0x78: {  	_ =	shalt  }
0x79: {  	_ =	shalt  }
0x7a: {  	_ =	shalt  }
0x7b: {  	_ =	shalt  }
0x7c: {  	_ =	shalt  }
0x7d: {  	_ =	shalt  }
0x7e: {  	_ =	shalt  }
0x7f: {  	_ =	shalt  }
0x80: {  	_ =	shalt  }
0x81: {  	_ =	shalt  }
0x82: {  	_ =	shalt  }
0x83: {  	_ =	shalt  }
0x84: {  	_ =	shalt  }
0x85: {  	_ =	shalt  }
0x86: {  	_ =	shalt  }
0x87: {  	_ =	shalt  }
.Lfunc_end0:
.L_simem_size_0:
called_computation_lowered:
.L_overlay_start_0:
0x88: {  	s2 =	sld [smem:$0x3FD9]  }
0x89: {  	s3 =	sld [smem:$0x3FFE];
	_ =	sdelay $0x1  }
0x8a: {  	s1 =	srdreg.scid  }
0x8b: {  	s0 =	sand.u32 $0x1, s1  }
0x8c: {  	s16 =	sshll.u32 s0, $0xA;
	s2 =	sadd.s32 s3, s2  }
0x8d: {  	s2 =	sadd.s32 s2, s16  }
0x8e: {  	[smem:$0x3FC6] =	sst s2  }
0x8f: {  	_ = 	snop  }
0x90: {  	(tm) =	ssettm $0x1  }
0x91: {  	s17 =	sld [smem:$0x3FFB];
	_ =	sdelay $0x3  }
0x92: {  	_ =	strace s17  }
0x93: {  	s2 =	sld [smem:$0x3FFC];
	_ =	sdelay $0x3  }
0x94: {  	_ =	strace s2  }
0x95: {  	s2 =	sld [smem:$0x3FFD];
	_ =	sdelay $0x3  }
0x96: {  	_ =	strace s2  }
0x97: {  	_ =	strace $0x8FFFFFFF  }
0x98: {  	s18 =	sld [smem:$0x3FDB];
	_ =	sdelay $0x1  }
0x99: {  	s19 =	simm.s32 $_scs_section_size  }
0x9a: {  	s4 =	simm.s32 $_size__tile_overlayer_lowered;
	s5 =	simm.s32 $_tile_overlayer_lowered  }
0x9b: {  	s22 =	simm.s32 $0x1BFF;
	s21 =	sshll.u32 s5, $0x1;
	s2 =	sadd.s32 s19, s18  }
0x9c: {  	s6 =	simm.s32 $0x0;
	s20 =	sshll.u32 s4, $0x1;
	s4 =	sadd.s32 s21, s2  }
0x9d: {  	[timem:s6], [sflag:s22] =	dma.local [hbm:s4], s20  }
0x9e: {  	_ =	swait.ge [sflag:s22], s20  }
0x9f: {  	s3 =	ssub.s32 $0x0, s20;
	[sflag:s22] =	ssyncset.done $0x0  }
0xa0: {  	[sflag:s22] =	ssyncadd.s32 s3;
	_ =	sdelay $0x1  }
0xa1: {  	s23 =	simm.s32 $0x1B8B  }
0xa2: {  	_ =	swait.ge [sflag:s23], $0x1  }
0xa3: {  	[sflag:s23] =	ssyncset.done $0x0  }
0xa4: {  	s25 =	simm.s32 $0x1B8E;
	s24 =	sld [smem:$0x3FFE];
	[sflag:s23] =	ssyncadd.s32 $0xFFFFFFFF  }
0xa5: {  	s26 =	simm.s32 $execute0_lowered;
	[smem:$0x3FD2] =	sst s25  }
0xa6: {  	s4 =	sshll.u32 s26, $0x1;
	_ =	strace $0x80000046;
	[dreg:$0x1] =	wrdreg $0xFFFFFFFF  }
0xa7: {  	s28 =	simm.s32 $_size_execute0_lowered;
	s2 =	sadd.s32 s2, s4;
	[dreg:$0x0] =	wrdreg $0x0  }
0xa8: {  	s4 =	sshll.u32 s28, $0x1;
	[dreg:$0x2] =	wrdreg s2  }
0xa9: {  	[dreg:$0x3] =	wrdreg s4  }
0xaa: {  	[dreg:$0x4] =	wrdreg $0xC0  }
0xab: {  	_ =	task [dreg:s6], $0x5FFFF  }
0xac: {  	[dreg:$0x1] =	wrdreg $0xFFFFFFFF  }
0xad: {  	[dreg:$0x0] =	wrdreg $0x60  }
0xae: {  	[dreg:$0x2] =	wrdreg s24  }
0xaf: {  	[dreg:$0x3] =	wrdreg $0x9  }
0xb0: {  	_ =	task.clear_ibuf [dreg:s6], $0x4FFFF;
	_ =	strace $0x90000046  }
0xb1: {  	s29 =	simm.s32 $0x9;
	_ =	strace $0x80000048  }
0xb2: {  	_ =	swait.ge [sflag:s29], $0x1  }
0xb3: {  	[sflag:s29] =	ssyncadd.s32 $0xFFFFFFFF  }
0xb4: {  	_ =	strace $0x90000048  }
0xb5: {  	_ =	sfence  }
0xb6: {  	s30 =	sld [smem:$0x0];
	_ =	sdelay $0x2  }
0xb7: {  	s31 =	sshll.u32 s1, $0xD;
	s1 =	sshrl.u32 s1, $0x2  }
0xb8: {  	s3 =	sand.u32 $0x4000, s31;
	s1 =	sadd.s32 s1, s30  }
0xb9: {  	s0 =	sor.u32 s3, s0;
	s1 =	sshll.u32 s1, $0x11  }
0xba: {  	s0 =	sor.u32 s1, s0  }
0xbb: {  	s0 =	sadd.s32 $0x8F2B, s0  }
0xbc: {  	[sflag:s0] =	ssyncadd.remote.s32 $0x1  }
0xbd: {  	_ =	sfence.sel $0xFFFF  }
0xbe: {  	[dreg:$0x0] =	wrdreg $0xFFFFFFFF;
	(pc) =	sbr.abs _section_cstart, $3  }
0xbf: {  	[dreg:$0x1] =	wrdreg $0xFFFFFFFF  }
0xc0: {  	_ =	task.clear_ibuf [dreg:s6], $0x2FFFF;
	_ =	strace $0x9FFFFFFF  }
0xc1: {  	(tm) =	ssettm $0x7FFFFFFF  }
tec
execute0_lowered:
.L_overlay_start_1:
0x0: {  	(tag) =	ssettag $0x1  }
0x1: {  	s5 =	rddreg [dreg:$0x0]  }
0x2: {  	s0 =	srdreg.scid;
	s1 =	stileid.u32;
	s3 =	simm.s32 $0x0  }
0x3: {  	s28 =	simm.s32 $0x2000;
	[smem:$0x7FF] =	sst s3;
	s4 =	sadd.s32 $0x200, s5  }
0x4: {  	s19 =	sadd.s32 $0x400, s5;
	_ =	strace $0x80000047;
	[dreg:$0x2] =	wrdreg s4  }
0x5: {  	s29 =	simm.s32 $0x2800;
	s20 =	sadd.s32 $0x600, s5;
	[dreg:$0x3] =	wrdreg s19  }
0x6: {  	s0 =	sand.u32 $0x1, s0;
	s21 =	sadd.s32 $0x4A00, s5;
	[dreg:$0x4] =	wrdreg s20  }
0x7: {  	s1 =	sshll.u32 s1, $0x1;
	s6 =	sadd.s32 $0x4800, s5;
	[dreg:$0x5] =	wrdreg s21  }
0x8: {  	v0 =	vimm.s32 $0x76543210;
	v1 =	vimm.s32 $0xFEDCBA98;
	s31 =	simm.s32 $0x3800;
	s1 =	sor.u32 s0, s1;
	[dreg:$0x6] =	wrdreg s6  }
0x9: {  	v2 =	vimm.s32 $0xBA98FEDC;
	v3 =	vimm.s32 $0x32107654;
	v4 =	vimm.s32 $0xDCFE98BA;
	s0 =	ssub.s32 $0x2, s0;
	s21 =	simm.s32 $0x1;
	s2 =	sshll.u32 s1, $0x7  }
0xa: {  	v5 =	vimm.s32 $0x54761032;
	v6 =	vimm.s32 $0xEFCDAB89;
	v7 =	vimm.s32 $0x67452301;
	s22 =	sshll.u32 s1, $0x3;
	s1 =	sshll.u32 s1, $0x8;
	s26 =	sshrl.u32 s0, $0x1  }
0xb: {  	v0 =	vunpack.c.l.s4.s8 v0;
	v1 =	vunpack.c.l.s4.s8 v1;
	v2 =	vunpack.c.l.s4.s8 v2;
	s2 =	sadd.s32 s2, s5;
	s4 =	sadd.s32 s22, s5;
	s1 =	sadd.s32 s1, s5  }
0xc: {  	v3 =	vunpack.c.l.s4.s8 v3;
	v4 =	vunpack.c.l.s4.s8 v4;
	v5 =	vunpack.c.l.s4.s8 v5;
	s0 =	ssub.s32 s0, s26;
	s26 =	simm.s32 $0x1800;
	s22 =	simm.s32 $0x4300  }
0xd: {  	v6 =	vunpack.c.l.s4.s8 v6;
	v7 =	vunpack.c.l.s4.s8 v7;
	v2 =	vunpack.c.0.s8.s32 v2;
	s23 =	sadd.s32 $0x800, s2;
	s24 =	sadd.s32 $0x1800, s2;
	s25 =	sadd.s32 $0x2800, s2  }
0xe: {  	v3 =	vunpack.c.0.s8.s32 v3;
	v4 =	vunpack.c.0.s8.s32 v4;
	v5 =	vunpack.c.0.s8.s32 v5;
	s2 =	sadd.s32 $0x3800, s2;
	s30 =	sadd.s32 $0x6C00, s4;
	s14 =	sadd.s32 $0x6E00, s4  }
0xf: {  	v1 =	vunpack.c.0.s8.s32 v1;
	v6 =	vunpack.c.0.s8.s32 v6;
	v7 =	vunpack.c.0.s8.s32 v7;
	s15 =	sadd.s32 $0x7000, s4;
	s16 =	sadd.s32 $0x7200, s4;
	[dreg:$0x7] =	wrdreg s23  }
0x10: {  	s17 =	sadd.s32 $0x7400, s4;
	s18 =	sadd.s32 $0x7600, s4;
	v3 =	vcombine.low v3, v2;
	v2 =	vunpack.c.0.s8.s32 v0;
	v4 =	vcombine.low v5, v4;
	[dreg:$0x8] =	wrdreg s24  }
0x11: {  	s19 =	sadd.s32 $0x4C00, s1;
	s20 =	smax.u32 s0, $0x1;
	v0 =	vimm.f32 $0.0e+00;
	v5 =	vand.u32 $0xF, v1;
	v6 =	vcombine.low v7, v6;
	[dreg:$0x9] =	wrdreg s25  }
0x12: {  	s0 =	simm.s32 $0x4B00;
	s1 =	simm.s32 $0x4B80;
	v1 =	vlaneseq.u32;
	[dreg:$0xa] =	wrdreg s2;
	v2 =	vcombine.low v5, v2;
	v3 =	vand.u32 $0xF, v3  }
0x13: {  	[dreg:$0xb] =	wrdreg s30;
	s25 =	simm.s32 $0x1000;
	s23 =	simm.s32 $0x0;
	v4 =	vand.u32 $0xF, v4;
	v5 =	vand.u32 $0xF, v6;
	v6 =	vimm.f32 $1.000000000e+00  }
.LBB2_1:
0x14: {  	s2 =	rddreg [dreg:$0x7]  }
0x15: {  	[tilespmem:s3], [sflag:$0x1] =	stream.linear.gather [hbm4b:s2+s3], $0x400, $0x38;
	[tilespmem:$0x4C00] =	vst v63  }
0x16: {  	_ =	swait.ge [sflag:s21], $0x400  }
0x17: {  	[sflag:s21] =	ssyncset.done $0x0  }
0x18: {  	s4 =	simm.s32 $0x400;
	s30 =	rddreg [dreg:$0x8];
	[sflag:s21] =	ssyncadd.s32 $0xFFFFFC00  }
0x19: {  	[tilespmem:s4], [sflag:$0x1] =	stream.linear.gather [hbm4b:s30+s3], $0x400, $0x38;
	[tilespmem:$0x4C00] =	vst v63  }
0x1a: {  	_ =	swait.ge [sflag:s21], $0x400  }
0x1b: {  	[sflag:s21] =	ssyncset.done $0x0  }
0x1c: {  	s6 =	simm.s32 $0x800;
	s5 =	rddreg [dreg:$0x9];
	[sflag:s21] =	ssyncadd.s32 $0xFFFFFC00  }
0x1d: {  	[tilespmem:s6], [sflag:$0x1] =	stream.linear.gather [hbm4b:s5+s3], $0x400, $0x38;
	[tilespmem:$0x4C00] =	vst v63  }
0x1e: {  	_ =	swait.ge [sflag:s21], $0x400  }
0x1f: {  	[sflag:s21] =	ssyncset.done $0x0  }
0x20: {  	s8 =	simm.s32 $0xC00;
	s7 =	rddreg [dreg:$0xa];
	[sflag:s21] =	ssyncadd.s32 $0xFFFFFC00  }
0x21: {  	[tilespmem:s8], [sflag:$0x1] =	stream.linear.gather [hbm4b:s7+s3], $0x400, $0x38;
	[tilespmem:$0x4C00] =	vst v63  }
0x22: {  	_ =	swait.ge [sflag:s21], $0x400  }
0x23: {  	[sflag:s21] =	ssyncset.done $0x0  }
0x24: {  	[sflag:s21] =	ssyncadd.s32 $0xFFFFFC00  }
0x25: {  	s9 =	rddreg [dreg:$0x0]  }
0x26: {  	[tilespmem:s25], [sflag:$0x1] =	stream.linear.gather [hbm4b:s9+s3], $0x800, $0x38;
	[tilespmem:$0x4C00] =	vst v63  }
0x27: {  	_ =	swait.ge [sflag:s21], $0x800  }
0x28: {  	[sflag:s21] =	ssyncset.done $0x0  }
0x29: {  	s10 =	rddreg [dreg:$0x2];
	[sflag:s21] =	ssyncadd.s32 $0xFFFFF800  }
0x2a: {  	[tilespmem:s26], [sflag:$0x1] =	stream.linear.gather [hbm4b:s10+s3], $0x800, $0x38;
	[tilespmem:$0x4C00] =	vst v63  }
0x2b: {  	_ =	swait.ge [sflag:s21], $0x800  }
0x2c: {  	[sflag:s21] =	ssyncset.done $0x0  }
0x2d: {  	s11 =	rddreg [dreg:$0x3];
	[sflag:s21] =	ssyncadd.s32 $0xFFFFF800  }
0x2e: {  	[tilespmem:s28], [sflag:$0x1] =	stream.linear.gather [hbm4b:s11+s3], $0x800, $0x38;
	[tilespmem:$0x4C00] =	vst v63  }
0x2f: {  	_ =	swait.ge [sflag:s21], $0x800  }
0x30: {  	[sflag:s21] =	ssyncset.done $0x0  }
0x31: {  	s12 =	rddreg [dreg:$0x4];
	[sflag:s21] =	ssyncadd.s32 $0xFFFFF800  }
0x32: {  	[tilespmem:s29], [sflag:$0x1] =	stream.linear.gather [hbm4b:s12+s3], $0x800, $0x38;
	[tilespmem:$0x4C00] =	vst v63  }
0x33: {  	_ =	swait.ge [sflag:s21], $0x800  }
0x34: {  	[sflag:s21] =	ssyncset.done $0x0  }
0x35: {  	s24 =	simm.s32 $0x3000;
	s13 =	rddreg [dreg:$0x5];
	[sflag:s21] =	ssyncadd.s32 $0xFFFFF800  }
0x36: {  	[tilespmem:s24], [sflag:$0x1] =	stream.linear.gather [hbm4b:s13+s3], $0x800, $0x38;
	[tilespmem:$0x4C00] =	vst v63  }
0x37: {  	_ =	swait.ge [sflag:s21], $0x800  }
0x38: {  	[sflag:s21] =	ssyncset.done $0x0  }
0x39: {  	s30 =	rddreg [dreg:$0x6];
	[sflag:s21] =	ssyncadd.s32 $0xFFFFF800  }
0x3a: {  	[tilespmem:s31], [sflag:$0x1] =	stream.linear.gather [hbm4b:s30+s3], $0x800, $0x38;
	[tilespmem:$0x4C00] =	vst v63  }
0x3b: {  	_ =	swait.ge [sflag:s21], $0x800  }
0x3c: {  	[sflag:s21] =	ssyncset.done $0x0  }
0x3d: {  	s2 =	simm.s32 $0x40;
	s4 =	simm.s32 $0x0;
	[sflag:s21] =	ssyncadd.s32 $0xFFFFF800  }
.LBB2_2:
0x3e: {  	p0 =	sne.s32 s2, $0x1FC0;
	[tilespmem:s4+$0x4300] =	vst v0;
	s4 =	smov.u32 s2;
	s2 =	sadd.s32 $0x40, s2  }
.Ltmp0:
0x3f: {  	(pc) =	sbr.rel @p0 .LBB2_2-.Ltmp0, $2  }
0x40: {  	_ =	sdelay $0x2  }
0x41: {  	s4 =	sshra.s32 s4, $0x2  }
0x42: {  	[tilespmem:s4+$0x4300] =	vst v0;
	s24 =	simm.s32 $0x0  }
.LBB2_4:
0x43: {  	s2 =	sshll.u32 s24, $0x8  }
0x44: {  	v7 =	vimm.f32 $0.0e+00;
	v8 =	vimm.s32 $0x0;
	s30 =	simm.s32 $0x0;
	v9 =	vmov s2  }
.LBB2_5:
0x45: {  	_ =	sdelay $0x2  }
0x46: {  	s2 =	sshll.u32 s30, $0x4  }
0x47: {  	v11 =	vld.idx.msk [tilespmem:v9+s2+$0x0 ss:$0x1], $0xffff  }
0x48: {  	v10 =	vld.idx.msk [tilespmem:v9+s2+$0x400 ss:$0x1], $0xffff  }
0x49: {  	v13 =	vld.idx.msk [tilespmem:v9+s2+$0x800 ss:$0x1], $0xffff  }
0x4a: {  	s13 =	simm.s32 $0x1000;
	v12 =	vld.idx.msk [tilespmem:v9+s2+$0xC00 ss:$0x1], $0xffff  }
0x4b: {  	s4 =	simm.s32 $0x2000;
	v14 =	vld [tilespmem:s13+$0x0]  }
0x4c: {  	s5 =	simm.s32 $0x2800;
	v15 =	vld [tilespmem:s4+$0x0]  }
0x4d: {  	s6 =	simm.s32 $0x1800;
	v16 =	vld [tilespmem:s5+$0x0]  }
0x4e: {  	s7 =	simm.s32 $0x3000;
	v17 =	vld [tilespmem:s6+$0x0]  }
0x4f: {  	s8 =	simm.s32 $0x1010;
	v18 =	vld [tilespmem:s7+$0x0]  }
0x50: {  	s9 =	simm.s32 $0x2010;
	v19 =	vld [tilespmem:s8+$0x0]  }
0x51: {  	s10 =	simm.s32 $0x2810;
	v22 =	vld [tilespmem:s9+$0x0]  }
0x52: {  	s11 =	simm.s32 $0x1810;
	v23 =	vld [tilespmem:s10+$0x0];
	v20 =	vsub.f32 v13, v11;
	v21 =	vsub.f32 v12, v10;
	v15 =	vmin.f32 v13, v15  }
0x53: {  	v24 =	vld [tilespmem:s11+$0x0];
	s6 =	simm.s32 $0x1820;
	v14 =	vmax.f32 v11, v14;
	v16 =	vmin.f32 v12, v16;
	v17 =	vmax.f32 v10, v17  }
0x54: {  	s12 =	simm.s32 $0x3010;
	v25 =	vld [tilespmem:s6+$0x0];
	v15 =	vsub.f32 v15, v14;
	v16 =	vsub.f32 v16, v17  }
0x55: {  	s13 =	simm.s32 $0x1020;
	v17 =	vld [tilespmem:s12+$0x0];
	v14 =	vmul.f32 v21, v20  }
0x56: {  	s4 =	simm.s32 $0x2020;
	v20 =	vld [tilespmem:s13+$0x0];
	v15 =	vmax.f32 v15, $0.0e+00;
	v16 =	vmax.f32 v16, $0.0e+00  }
0x57: {  	s5 =	simm.s32 $0x2820;
	v21 =	vmul.f32 v16, v15;
	v15 =	vadd.f32 v18, v14;
	v16 =	vld [tilespmem:s4+$0x0]  }
0x58: {  	v22 =	vmin.f32 v13, v22;
	v19 =	vmax.f32 v11, v19;
	v18 =	vld [tilespmem:s5+$0x0]  }
0x59: {  	v23 =	vmin.f32 v12, v23;
	v24 =	vmax.f32 v10, v24;
	v15 =	vsub.f32 v15, v21  }
0x5a: {  	v19 =	vsub.f32 v22, v19;
	v22 =	vsub.f32 v23, v24  }
0x5b: {  	s7 =	simm.s32 $0x3020;
	v17 =	vadd.f32 v17, v14;
	v20 =	vmax.f32 v11, v20;
	(erf) = vrcp.f32 v15  }
0x5c: {  	s9 =	simm.s32 $0x2030;
	v23 =	vld [tilespmem:s7+$0x0];
	v15 =	vmax.f32 v19, $0.0e+00;
	v19 =	vmax.f32 v22, $0.0e+00;
	v22 =	vmax.f32 v10, v25  }
0x5d: {  	s8 =	simm.s32 $0x1030;
	v26 =	vld [tilespmem:s9+$0x0];
	v16 =	vmin.f32 v13, v16;
	v18 =	vmin.f32 v12, v18;
	v15 =	vmul.f32 v19, v15  }
0x5e: {  	s10 =	simm.s32 $0x2830;
	v24 =	vld [tilespmem:s8+$0x0];
	v16 =	vsub.f32 v16, v20;
	v18 =	vsub.f32 v18, v22  }
0x5f: {  	s11 =	simm.s32 $0x1830;
	v19 =	vld [tilespmem:s10+$0x0];
	v17 =	vsub.f32 v17, v15  }
0x60: {  	v20 =	vld [tilespmem:s11+$0x0];
	v16 =	vmax.f32 v16, $0.0e+00;
	v18 =	vmax.f32 v18, $0.0e+00  }
0x61: {  	s13 =	simm.s32 $0x1040;
	v16 =	vmul.f32 v18, v16;
	v18 =	vadd.f32 v23, v14;
	(erf) = vrcp.f32 v17  }
0x62: {  	s12 =	simm.s32 $0x3030;
	v25 =	vld [tilespmem:s13+$0x0]  }
0x63: {  	s7 =	simm.s32 $0x2040;
	v22 =	vld [tilespmem:s12+$0x0];
	v17 =	vmin.f32 v13, v26;
	v23 =	vmax.f32 v11, v24;
	v18 =	vsub.f32 v18, v16  }
0x64: {  	s8 =	simm.s32 $0x2840;
	v24 =	vmin.f32 v12, v19;
	v19 =	vld [tilespmem:s7+$0x0];
	v17 =	vsub.f32 v17, v23;
	v26 =	vpop (erf)  }
0x65: {  	s9 =	simm.s32 $0x1840;
	v20 =	vmax.f32 v10, v20;
	(erf) = vrcp.f32 v18;
	v28 =	vmul.f32 v26, v21;
	v21 =	vld [tilespmem:s8+$0x0]  }
0x66: {  	v29 =	vimm.f32 $-1.000000000e+00;
	s2 =	simm.s32 $0x10;
	s5 =	simm.s32 $0x0;
	v20 =	vsub.f32 v24, v20;
	v24 =	vld [tilespmem:s9+$0x0]  }
0x67: {  	s6 =	simm.s32 $0x30;
	s4 =	simm.s32 $0x20;
	s10 =	simm.s32 $0x3040;
	v18 =	vor.u32 s5, v1;
	v26 =	vmax.f32 v17, $0.0e+00;
	vm0 =	vgt.f32 v28, v29  }
0x68: {  	s11 =	simm.s32 $0x50;
	s12 =	simm.s32 $0x1050;
	v23 =	vld [tilespmem:s10+$0x0];
	s5 =	simm.s32 $0x40;
	v27 =	vmax.f32 v20, $0.0e+00;
	v17 =	vimm.s32 $0x0;
	v20 =	vsel vm0, v28, v29  }
.LBB2_6:
0x69: {  	v28 =	vld [tilespmem:s12+$0x0];
	s7 =	sadd.s32 $0x10, s7;
	v26 =	vmul.f32 v27, v26;
	v22 =	vadd.f32 v22, v14;
	v17 =	vsel vm0, v18, v17;
	s13 =	smov.u32 s11;
	p0 =	sne.s32 s11, $0x7F0  }
.Ltmp1:
0x6a: {  	v18 =	vmin.f32 v13, v19;
	v25 =	vmax.f32 v11, v25;
	s8 =	sadd.s32 $0x10, s8;
	v19 =	vld [tilespmem:s7+$0x0];
	v27 =	vmin.f32 v12, v21;
	v29 =	vpop (erf);
	(pc) =	sbr.rel @p0 .LBB2_6-.Ltmp1, $4  }
0x6b: {  	s9 =	sadd.s32 $0x10, s9;
	v21 =	vld [tilespmem:s8+$0x0];
	v30 =	vmax.f32 v10, v24;
	v31 =	vsub.f32 v22, v26;
	v29 =	vmul.f32 v29, v15;
	v15 =	vmovc v16  }
0x6c: {  	s11 =	sadd.s32 $0x10, s11;
	v32 =	vsub.f32 v18, v25;
	v16 =	vmov v26;
	v24 =	vld [tilespmem:s9+$0x0];
	v27 =	vsub.f32 v27, v30  }
0x6d: {  	s10 =	sadd.s32 $0x10, s10;
	v18 =	vor.u32 s2, v1;
	s2 =	smov.u32 s4;
	s4 =	smov.u32 s6;
	(erf) = vrcp.f32 v31;
	vm0 =	vgt.f32 v29, v20;
	v22 =	vmovc v23  }
0x6e: {  	s12 =	sadd.s32 $0x10, s12;
	s6 =	smov.u32 s5;
	s5 =	smov.u32 s13;
	v26 =	vmax.f32 v32, $0.0e+00;
	v23 =	vld [tilespmem:s10+$0x0];
	v27 =	vmax.f32 v27, $0.0e+00;
	v20 =	vsel vm0, v29, v20;
	v25 =	vmovc v28  }
0x6f: {  	_ = 	snop  }
0x70: {  	v13 =	vmin.f32 v13, v19  }
0x71: {  	v11 =	vmax.f32 v11, v25;
	v12 =	vmin.f32 v12, v21;
	v10 =	vmax.f32 v10, v24  }
0x72: {  	v11 =	vsub.f32 v13, v11;
	v10 =	vsub.f32 v12, v10  }
0x73: {  	v45 =	vmul.f32 v27, v26;
	v46 =	vadd.f32 v22, v14  }
0x74: {  	v11 =	vmax.f32 v11, $0.0e+00;
	v10 =	vmax.f32 v10, $0.0e+00  }
0x75: {  	v13 =	vsub.f32 v46, v45;
	v10 =	vmul.f32 v10, v11;
	v11 =	vadd.f32 v23, v14;
	_ =	sdelay $0x1  }
0x76: {  	(erf) = vrcp.f32 v13;
	v11 =	vsub.f32 v11, v10;
	_ =	sdelay $0x1  }
0x77: {  	(erf) = vrcp.f32 v11;
	_ =	sdelay $0x2  }
0x78: {  	v11 =	vpop (erf)  }
0x79: {  	v11 =	vmul.f32 v11, v15  }
0x7a: {  	v47 =	vpop (erf)  }
0x7b: {  	v13 =	vmul.f32 v47, v16;
	vm1 =	vgt.f32 v11, v20  }
0x7c: {  	v48 =	vpop (erf);
	v11 =	vsel vm1, v11, v20  }
0x7d: {  	v12 =	vmul.f32 v48, v45;
	vm2 =	vgt.f32 v13, v11  }
0x7e: {  	v11 =	vsel vm2, v13, v11;
	v49 =	vpop (erf)  }
0x7f: {  	vm3 =	vgt.f32 v12, v11;
	v10 =	vmul.f32 v49, v10  }
0x80: {  	v11 =	vsel vm3, v12, v11  }
0x81: {  	vm4 =	vgt.f32 v10, v11  }
0x82: {  	v10 =	vsel vm4, v10, v11  }
0x83: {  	[tilespmem:$0x4B00] =	vst v10  }
0x84: {  	v11 =	vld.idx.msk [tilespmem:v2+s0+$0x0], $0xffff;
	_ =	sdelay $0x4  }
0x85: {  	v11 =	vmax.f32 v10, v11  }
0x86: {  	[tilespmem:$0x4B00] =	vst v11  }
0x87: {  	v50 =	vld.idx.msk [tilespmem:v3+s0+$0x0], $0xffff;
	_ =	sdelay $0x4  }
0x88: {  	v11 =	vmax.f32 v11, v50  }
0x89: {  	[tilespmem:$0x4B00] =	vst v11  }
0x8a: {  	v51 =	vld.idx.msk [tilespmem:v4+s0+$0x0], $0xffff;
	_ =	sdelay $0x4  }
0x8b: {  	v11 =	vmax.f32 v11, v51  }
0x8c: {  	[tilespmem:$0x4B00] =	vst v11  }
0x8d: {  	v52 =	vld.idx.msk [tilespmem:v5+s0+$0x0], $0xffff;
	_ =	sdelay $0x1  }
0x8e: {  	v53 =	vsel vm0, v18, v17;
	v54 =	vor.u32 s2, v1  }
0x8f: {  	v55 =	vor.u32 s4, v1;
	v13 =	vsel vm1, v54, v53  }
0x90: {  	v56 =	vor.u32 s6, v1;
	v13 =	vsel vm2, v55, v13  }
0x91: {  	v57 =	vor.u32 s5, v1;
	v13 =	vsel vm3, v56, v13;
	v11 =	vmax.f32 v11, v52  }
0x92: {  	v58 =	vsel vm4, v57, v13;
	vm14 =	veq.f32 v10, v11  }
0x93: {  	v10 =	vnsel vm14, $0x1000, v58  }
0x94: {  	[tilespmem:$0x4B80] =	vst v10  }
0x95: {  	v59 =	vld.idx.msk [tilespmem:v2+s1+$0x0], $0xffff;
	_ =	sdelay $0x4  }
0x96: {  	vm0 =	vlt.s32 v10, v59  }
0x97: {  	v10 =	vsel vm0, v10, v59  }
0x98: {  	[tilespmem:$0x4B80] =	vst v10  }
0x99: {  	v60 =	vld.idx.msk [tilespmem:v3+s1+$0x0], $0xffff;
	_ =	sdelay $0x4  }
0x9a: {  	vm0 =	vlt.s32 v10, v60  }
0x9b: {  	v10 =	vsel vm0, v10, v60  }
0x9c: {  	[tilespmem:$0x4B80] =	vst v10  }
0x9d: {  	v61 =	vld.idx.msk [tilespmem:v4+s1+$0x0], $0xffff;
	_ =	sdelay $0x4  }
0x9e: {  	vm0 =	vlt.s32 v10, v61  }
0x9f: {  	v10 =	vsel vm0, v10, v61  }
0xa0: {  	[tilespmem:$0x4B80] =	vst v10  }
0xa1: {  	v62 =	vld.idx.msk [tilespmem:v5+s1+$0x0], $0xffff  }
0xa2: {  	v63 =	vmov s30;
	s30 =	sadd.s32 $0x1, s30  }
0xa3: {  	p0 =	sne.s32 s30, $0x10  }
.Ltmp2:
0xa4: {  	_ = 	snop;
	(pc) =	sbr.rel @p0 .LBB2_5-.Ltmp2, $4  }
0xa5: {  	_ = 	snop  }
0xa6: {  	vm0 =	vlt.s32 v10, v62  }
0xa7: {  	vm15 =	veq.s32 v63, v1;
	v10 =	vsel vm0, v10, v62  }
0xa8: {  	v7 =	vsel vm15, v11, v7;
	v8 =	vsel vm15, v10, v8  }
0xa9: {  	_ =	sdelay $0x1  }
0xaa: {  	vm0 =	vgt.f32 v7, $4.499999880e-01;
	_ =	sdelay $0x1  }
0xab: {  	v9 =	vld.idx.msk [tilespmem:v8+s25+$0x0], $0xffff  }
0xac: {  	v10 =	vld.idx.msk [tilespmem:v8+s26+$0x0], $0xffff  }
0xad: {  	v11 =	vld.idx.msk [tilespmem:v8+s28+$0x0], $0xffff  }
0xae: {  	v12 =	vld.idx.msk [tilespmem:v8+s29+$0x0], $0xffff  }
0xaf: {  	v13 =	vld.idx.msk [tilespmem:v8+s31+$0x0], $0xffff;
	s2 =	sshll.u32 s24, $0x4;
	s24 =	sadd.s32 $0x1, s24;
	[tilespmem:v8+s22+$0x0] =	vst.idx.msk vm0, v6  }
0xb0: {  	p0 =	sne.s32 s24, $0x4;
	[tilespmem:s2+$0x4000] =	vst v7  }
.Ltmp3:
0xb1: {  	[tilespmem:s2+$0x4080] =	vst v9;
	(pc) =	sbr.rel @p0 .LBB2_4-.Ltmp3, $4  }
0xb2: {  	[tilespmem:s2+$0x4100] =	vst v10  }
0xb3: {  	[tilespmem:s2+$0x4180] =	vst v11  }
0xb4: {  	[tilespmem:s2+$0x4200] =	vst v12  }
0xb5: {  	[tilespmem:s2+$0x4280] =	vst v13  }
0xb6: {  	s2 =	rddreg [dreg:$0xb];
	s4 =	simm.s32 $0x4000  }
0xb7: {  	[hbm4b:s2+s3] =	stream.linear.scatter [tilespmem:s4], [sflag:$0x1], $0x40, $0x38;
	[tilespmem:$0x4C00] =	vst v63  }
0xb8: {  	_ =	swait.ge [sflag:s21], $0x40  }
0xb9: {  	[sflag:s21] =	ssyncset.done $0x0  }
0xba: {  	s11 =	simm.s32 $0x4080;
	[sflag:s21] =	ssyncadd.s32 $0xFFFFFFC0  }
0xbb: {  	[hbm4b:s14+s3] =	stream.linear.scatter [tilespmem:s11], [sflag:$0x1], $0x40, $0x38;
	[tilespmem:$0x4C00] =	vst v63  }
0xbc: {  	_ =	swait.ge [sflag:s21], $0x40  }
0xbd: {  	[sflag:s21] =	ssyncset.done $0x0  }
0xbe: {  	s12 =	simm.s32 $0x4100;
	[sflag:s21] =	ssyncadd.s32 $0xFFFFFFC0  }
0xbf: {  	[hbm4b:s15+s3] =	stream.linear.scatter [tilespmem:s12], [sflag:$0x1], $0x40, $0x38;
	[tilespmem:$0x4C00] =	vst v63  }
0xc0: {  	_ =	swait.ge [sflag:s21], $0x40  }
0xc1: {  	[sflag:s21] =	ssyncset.done $0x0  }
0xc2: {  	s13 =	simm.s32 $0x4180;
	[sflag:s21] =	ssyncadd.s32 $0xFFFFFFC0  }
0xc3: {  	[hbm4b:s16+s3] =	stream.linear.scatter [tilespmem:s13], [sflag:$0x1], $0x40, $0x38;
	[tilespmem:$0x4C00] =	vst v63  }
0xc4: {  	_ =	swait.ge [sflag:s21], $0x40  }
0xc5: {  	[sflag:s21] =	ssyncset.done $0x0  }
0xc6: {  	s24 =	simm.s32 $0x4200;
	[sflag:s21] =	ssyncadd.s32 $0xFFFFFFC0  }
0xc7: {  	[hbm4b:s17+s3] =	stream.linear.scatter [tilespmem:s24], [sflag:$0x1], $0x40, $0x38;
	[tilespmem:$0x4C00] =	vst v63  }
0xc8: {  	_ =	swait.ge [sflag:s21], $0x40  }
0xc9: {  	[sflag:s21] =	ssyncset.done $0x0  }
0xca: {  	s30 =	simm.s32 $0x4280;
	[sflag:s21] =	ssyncadd.s32 $0xFFFFFFC0  }
0xcb: {  	[hbm4b:s18+s3] =	stream.linear.scatter [tilespmem:s30], [sflag:$0x1], $0x40, $0x38;
	[tilespmem:$0x4C00] =	vst v63  }
0xcc: {  	s23 =	sadd.s32 $0x1, s23;
	_ =	swait.ge [sflag:s21], $0x40  }
0xcd: {  	p0 =	sne.s32 s23, s20;
	[sflag:s21] =	ssyncset.done $0x0  }
.Ltmp4:
0xce: {  	[sflag:s21] =	ssyncadd.s32 $0xFFFFFFC0;
	(pc) =	sbr.rel @p0 .LBB2_1-.Ltmp4, $4  }
0xcf: {  	[hbm4b:s19+s3] =	stream.linear.scatter [tilespmem:s22], [sflag:$0x1], $0x800, $0x38;
	[tilespmem:$0x4C00] =	vst v63  }
0xd0: {  	_ =	swait.ge [sflag:s21], $0x800  }
0xd1: {  	[sflag:s21] =	ssyncset.done $0x0  }
0xd2: {  	[sflag:s21] =	ssyncadd.s32 $0xFFFFF800  }
0xd3: {  	_ =	sfence.sel $0x180000  }
0xd4: {  	[bflag:$0x0] =	sbarrier.arrive $0xFFFF  }
0xd5: {  	_ =	strace $0x90000047  }
0xd6: {  	s0 =	stileid.u32;
	[bflag:$0x2] =	sbarrier.arrive $0xFFFF  }
0xd7: {  	p0 =	sne.s32 s0, $0x0;
	s0 =	rddreg [dreg:$0x1]  }
0xd8: {  	s0 =	sadd.s32 @!p0 $0x100000, s0  }
0xd9: {  	[sflag:s0] =	ssyncadd.tile.s32 @!p0 $0x1;
	_ =	shalt  }
.Lfunc_end2:
_tile_overlayer_lowered:
.L_overlay_start_2:
0xda: {  	(tag) =	ssettag $0x2  }
0xdb: {  	s0 =	rddreg [dreg:$0x0];
	s2 =	stileid.u32  }
0xdc: {  	s1 =	rddreg [dreg:$0x1];
	p0 =	sne.s32 s2, $0x0  }
0xdd: {  	s3 =	rddreg [dreg:$0x2];
	[bflag:$0x3] =	sbarrier.arrive $0xFFFF;
	s2 =	simm.s32 @!p0 $0x1C01  }
0xde: {  	[timem:s3], [sflag:s2] =	dma.local @!p0 [hbm:s0], s1  }
0xdf: {  	s0 =	simm.s32 @!p0 $0x1  }
0xe0: {  	_ =	swait.ge @!p0 [sflag:s0], s1  }
0xe1: {  	s1 =	ssub.s32 @!p0 $0x0, s1;
	[sflag:s0] =	ssyncset.done @!p0 $0x0  }
0xe2: {  	[sflag:s0] =	ssyncadd.s32 @!p0 s1  }
0xe3: {  	[bflag:$0x3] =	sbarrier.arrive $0xFFFF  }
0xe4: {  	_ =	shalt  }

</sc_bundles>
